<compile_context>
chip_gen: v7x
topology: tpu7x:2x2x1
jax: 0.10.2.dev20260603
libtpu: 0.0.44.dev20260713+nightly
codegen_flags: <defaults>
</compile_context>

<pallas_src>
import functools

import jax
import jax.numpy as jnp
from jax import lax
from jax.experimental import pallas as pl
from jax.experimental.pallas import tpu as pltpu
from jax.experimental.pallas import tpu_sc as plsc

_NC = 2
_NS = 16
_NW = _NC * _NS
_CH = 112
_NBUF = 2


def _row_pad(n):
    rows_per_tile = -(-n // (8 * _NS)) * 8
    return rows_per_tile, rows_per_tile * _NS


def _sc_bincount2(sidx3, didx3, n):
    nw, iters, ch = sidx3.shape
    assert nw == _NW and ch == _CH
    rows_per_tile, n_pad = _row_pad(n)

    mesh = plsc.VectorSubcoreMesh(core_axis_name="c", subcore_axis_name="s")

    @functools.partial(
        pl.kernel,
        mesh=mesh,
        compiler_params=pltpu.CompilerParams(use_tc_tiling_on_sc=False),
        out_type=[jax.ShapeDtypeStruct((2, n_pad, 16), jnp.float32),
                  jax.ShapeDtypeStruct((2, n_pad, 16), jnp.float32)],
        scratch_types=[
            pltpu.VMEM((iters, _CH), jnp.int32),
            pltpu.VMEM((iters, _CH), jnp.int32),
            pltpu.VMEM((_CH, 16), jnp.float32),
            pltpu.VMEM_SHARED((n_pad, 16), jnp.float32),
            pltpu.VMEM_SHARED((n_pad, 16), jnp.float32),
            pltpu.SemaphoreType.DMA,
            pltpu.SemaphoreType.DMA,
        ],
    )
    def k(sidx_hbm, didx_hbm, zeros_hbm, outs_hbm, outd_hbm, sidx, didx, ones,
          acc_s, acc_d, sem_s, sem_d):
        c = lax.axis_index("c")
        s = lax.axis_index("s")
        wid = c * _NS + s
        base_rows = s * rows_per_tile

        def fill_ones(i, carry):
            ones[i] = jnp.ones((16,), jnp.float32)
            return carry

        lax.fori_loop(0, _CH, fill_ones, 0)

        rt = pl.ds(base_rows, rows_per_tile)
        c1 = pltpu.async_copy(zeros_hbm, acc_s.at[rt], sem_s)
        c2 = pltpu.async_copy(zeros_hbm, acc_d.at[rt], sem_d)
        c3 = pltpu.async_copy(sidx_hbm.at[wid], sidx, sem_s)
        c4 = pltpu.async_copy(didx_hbm.at[wid], didx, sem_d)
        c1.wait(); c2.wait(); c3.wait(); c4.wait()
        plsc.subcore_barrier()

        def step(i, carry):
            pltpu.async_copy(ones, acc_s.at[sidx.at[i]], sem_s, add=True)
            pltpu.async_copy(ones, acc_d.at[didx.at[i]], sem_d, add=True)

            @pl.when(i > 0)
            def _():
                pltpu.make_async_copy(ones, acc_s.at[sidx.at[i]], sem_s).wait()
                pltpu.make_async_copy(ones, acc_d.at[didx.at[i]], sem_d).wait()

            return carry

        lax.fori_loop(0, iters, step, 0)
        pltpu.make_async_copy(ones, acc_s.at[sidx.at[0]], sem_s).wait()
        pltpu.make_async_copy(ones, acc_d.at[didx.at[0]], sem_d).wait()

        plsc.subcore_barrier()
        rt = pl.ds(base_rows, rows_per_tile)
        pltpu.sync_copy(acc_s.at[rt], outs_hbm.at[c, rt])
        pltpu.sync_copy(acc_d.at[rt], outd_hbm.at[c, rt])

    return k(sidx3, didx3, jnp.zeros((rows_per_tile, 16), jnp.float32))


def _sc_scatter(m, sidx3, didx3):
    n, f = m.shape
    nw, iters, ch = sidx3.shape
    rows_per_tile, n_pad = _row_pad(n)
    nbuf = _NBUF
    for cand in (4, 3):
        words = 16 * (2 * iters * _CH + cand * _CH * f) + n_pad * f
        if iters % cand == 0 and words <= 1_900_000:
            nbuf = cand
            break
    assert nw == _NW and ch == _CH and iters % nbuf == 0

    mesh = plsc.VectorSubcoreMesh(core_axis_name="c", subcore_axis_name="s")

    @functools.partial(
        pl.kernel,
        mesh=mesh,
        compiler_params=pltpu.CompilerParams(use_tc_tiling_on_sc=False),
        out_type=jax.ShapeDtypeStruct((2, n_pad, f), jnp.float32),
        scratch_types=[
            pltpu.VMEM((iters, _CH), jnp.int32),
            pltpu.VMEM((iters, _CH), jnp.int32),
        ] + [pltpu.VMEM((_CH, f), jnp.float32)] * nbuf + [
            pltpu.VMEM_SHARED((n_pad, f), jnp.float32),
        ] + [pltpu.SemaphoreType.DMA] * nbuf,
    )
    def k(m_hbm, src_hbm, dst_hbm, zeros_hbm, out_hbm, sidx, didx, *rest):
        rows = rest[:nbuf]
        acc = rest[nbuf]
        semg = rest[nbuf + 1:2 * nbuf + 1]
        c = lax.axis_index("c")
        s = lax.axis_index("s")
        wid = c * _NS + s
        base_rows = s * rows_per_tile

        c1 = pltpu.async_copy(zeros_hbm, acc.at[pl.ds(base_rows,
                                                      rows_per_tile)], semg[0])
        c2 = pltpu.async_copy(src_hbm.at[wid], sidx, semg[0])
        c3 = pltpu.async_copy(dst_hbm.at[wid], didx, semg[1])
        c1.wait(); c2.wait(); c3.wait()
        plsc.subcore_barrier()

        def gather_start(i, b):
            pltpu.async_copy(m_hbm.at[sidx.at[i]], rows[b], semg[b])

        def gather_wait(i, b):
            pltpu.make_async_copy(m_hbm.at[sidx.at[i]], rows[b], semg[b]).wait()

        for b in range(nbuf):
            gather_start(b, b)

        def grp(j, carry):
            i0 = j * nbuf
            for b in range(nbuf):
                gather_wait(i0 + b, b)
                pltpu.sync_copy(rows[b], acc.at[didx.at[i0 + b]], add=True)

                @pl.when(i0 + b + nbuf < iters)
                def _(b=b):
                    gather_start(i0 + b + nbuf, b)

            return carry

        lax.fori_loop(0, iters // nbuf, grp, 0)

        plsc.subcore_barrier()
        rt = pl.ds(base_rows, rows_per_tile)
        pltpu.sync_copy(acc.at[rt], out_hbm.at[c, rt])

    return k(m, sidx3, didx3, jnp.zeros((rows_per_tile, f), jnp.float32))


def _onorm(degs_ref):
    od = degs_ref[0, :, 0:1] + degs_ref[1, :, 0:1]
    return lax.rsqrt(jnp.maximum(od, 1.0))


def _tc_a_body(x_ref, w_ref, degs_ref, m1_ref):
    m1_ref[...] = jnp.dot(
        x_ref[...] * _onorm(degs_ref), w_ref[...],
        preferred_element_type=jnp.float32)


def _tc_b_body(p1_ref, odeg_ref, ideg_ref, b1_ref, w2_ref, m2_ref):
    inorm = _onorm(ideg_ref)
    h = (p1_ref[0] + p1_ref[1]) * inorm + b1_ref[...]
    h = jnp.maximum(h, 0.0)
    m2_ref[...] = jnp.dot(
        h, w2_ref[...], preferred_element_type=jnp.float32) * _onorm(odeg_ref)


def _tc_c_body(p2_ref, ideg_ref, b2_ref, out_ref):
    z = (p2_ref[0] + p2_ref[1]) * _onorm(ideg_ref) + b2_ref[...]
    zmax = jnp.max(z, axis=-1, keepdims=True)
    zs = z - zmax
    out_ref[...] = zs - jnp.log(jnp.sum(jnp.exp(zs), axis=-1, keepdims=True))


def kernel(x, edge_index, W1, b1, W2, b2):
    n, nfeat = x.shape
    nhid = W1.shape[1]
    ncls = W2.shape[1]
    bn = 2000
    nblk = n // bn
    assert nblk * bn == n

    src = edge_index[0].astype(jnp.int32)
    dst = edge_index[1].astype(jnp.int32)
    e = src.shape[0]
    _, n_pad = _row_pad(n)

    iters = -(-e // (_NW * _CH * 4)) * 4
    e_pad = _NW * iters * _CH
    pk = jnp.arange(e_pad - e, dtype=jnp.int32)
    trash = n + pk % (n_pad - n)
    src_gat3 = jnp.concatenate([src, pk % n]).reshape(_NW, iters, _CH)
    src_cnt3 = jnp.concatenate([src, trash]).reshape(_NW, iters, _CH)
    dst3 = jnp.concatenate([dst, trash]).reshape(_NW, iters, _CH)

    odegs, idegs = _sc_bincount2(src_cnt3, dst3, n)

    odeg_spec = pl.BlockSpec((2, bn, 16), lambda i: (0, i, 0))
    ideg_spec = pl.BlockSpec((2, bn, 16), lambda i: (0, i, 0))

    m1 = pl.pallas_call(
        _tc_a_body,
        grid=(nblk,),
        in_specs=[
            pl.BlockSpec((bn, nfeat), lambda i: (i, 0)),
            pl.BlockSpec((nfeat, nhid), lambda i: (0, 0)),
            odeg_spec,
        ],
        out_specs=pl.BlockSpec((bn, nhid), lambda i: (i, 0)),
        out_shape=jax.ShapeDtypeStruct((n, nhid), jnp.float32),
    )(x, W1, odegs)

    part1 = _sc_scatter(m1, src_gat3, dst3)

    m2 = pl.pallas_call(
        _tc_b_body,
        grid=(nblk,),
        in_specs=[
            pl.BlockSpec((2, bn, nhid), lambda i: (0, i, 0)),
            odeg_spec,
            ideg_spec,
            pl.BlockSpec((1, nhid), lambda i: (0, 0)),
            pl.BlockSpec((nhid, ncls), lambda i: (0, 0)),
        ],
        out_specs=pl.BlockSpec((bn, ncls), lambda i: (i, 0)),
        out_shape=jax.ShapeDtypeStruct((n, ncls), jnp.float32),
    )(part1, odegs, idegs, b1.reshape(1, nhid), W2)

    part2 = _sc_scatter(m2, src_gat3, dst3)

    out = pl.pallas_call(
        _tc_c_body,
        grid=(nblk,),
        in_specs=[
            pl.BlockSpec((2, bn, ncls), lambda i: (0, i, 0)),
            ideg_spec,
            pl.BlockSpec((1, ncls), lambda i: (0, 0)),
        ],
        out_specs=pl.BlockSpec((bn, ncls), lambda i: (i, 0)),
        out_shape=jax.ShapeDtypeStruct((n, ncls), jnp.float32),
    )(part2, idegs, b2.reshape(1, ncls))

    return out

# --- scband reference (transcript-rebuilt; emitter-appended) ---
"""Pipeline reference for scband-appnp-45105746543021 (READ-ONLY COPY).

The authoritative reference and input builder live on the scoring server;
editing this copy changes nothing except your own understanding.
"""

import jax, jax.numpy as jnp
import numpy as np

N = 10000
E = 320000
NFEAT = 128
NHID = 128
NCLASS = 64


def setup_inputs(seed: int = 0) -> dict:
    key = jax.random.key(seed)
    k1, k2, k3, k4, k5, k6 = jax.random.split(key, 6)
    x = jax.random.normal(k1, (N, NFEAT), dtype=jnp.float32)
    edge_index = jax.random.randint(k2, (2, E), 0, N, dtype=jnp.int64)
    glorot1 = (6.0 / (NFEAT + NHID)) ** 0.5
    glorot2 = (6.0 / (NHID + NCLASS)) ** 0.5
    W1 = jax.random.uniform(k3, (NFEAT, NHID), dtype=jnp.float32, minval=-glorot1, maxval=glorot1)
    b1 = jnp.zeros((NHID,), dtype=jnp.float32)
    W2 = jax.random.uniform(k4, (NHID, NCLASS), dtype=jnp.float32, minval=-glorot2, maxval=glorot2)
    b2 = jnp.zeros((NCLASS,), dtype=jnp.float32)
    return {"x": x, "edge_index": edge_index, "W1": W1, "b1": b1, "W2": W2, "b2": b2}


def _graph_conv(x, src, dst, out_norm, in_norm, W, b):
    # DGL GraphConv with norm='both': h = D_in^{-1/2} A D_out^{-1/2} X W + b
    m = x * out_norm[:, None]
    agg = jnp.zeros((x.shape[0], x.shape[1]), dtype=x.dtype).at[dst].add(m[src])
    agg = agg * in_norm[:, None]
    return agg @ W + b


def reference(x, edge_index, W1, b1, W2, b2):
    src = edge_index[0]
    dst = edge_index[1]
    n = x.shape[0]
    out_deg = jnp.bincount(src, length=n).astype(jnp.float32)
    in_deg = jnp.bincount(dst, length=n).astype(jnp.float32)
    out_norm = 1.0 / jnp.sqrt(jnp.clip(out_deg, 1.0))
    in_norm = 1.0 / jnp.sqrt(jnp.clip(in_deg, 1.0))
    h = _graph_conv(x, src, dst, out_norm, in_norm, W1, b1)
    h = jax.nn.relu(h)
    # layer == 2: inner gc_layer loop runs 0 times, dropout never applied
    h = _graph_conv(h, src, dst, out_norm, in_norm, W2, b2)
    return jax.nn.log_softmax(h, axis=-1)

if __name__ == "__main__":
    import jax
    _d = setup_inputs()
    print(jax.jit(kernel)(*tuple(_d.values())))

</pallas_src>

<mosaic_0001>
#map = affine_map<(d0, d1) -> (0, 0, 0)>
#map1 = affine_map<(d0, d1) -> (0, 0)>
module attributes {stable_mosaic.version = 14 : i64} {
  func.func @k(%arg0: i32, %arg1: i32, %arg2: memref<32x92x112xi32, #tpu.memory_space<hbm>>, %arg3: memref<32x92x112xi32, #tpu.memory_space<hbm>>, %arg4: memref<632x16xf32, #tpu.memory_space<hbm>>, %arg5: memref<2x10112x16xf32, #tpu.memory_space<hbm>>, %arg6: memref<2x10112x16xf32, #tpu.memory_space<hbm>>, %arg7: memref<92x112xi32, #tpu.memory_space<vmem>>, %arg8: memref<92x112xi32, #tpu.memory_space<vmem>>, %arg9: memref<112x16xf32, #tpu.memory_space<vmem>>, %arg10: memref<10112x16xf32, #tpu.memory_space<vmem_shared>>, %arg11: memref<10112x16xf32, #tpu.memory_space<vmem_shared>>, %arg12: memref<!tpu.dma_semaphore, #tpu.memory_space<semaphore_mem>>, %arg13: memref<!tpu.dma_semaphore, #tpu.memory_space<semaphore_mem>>) attributes {dimension_semantics = [#tpu.dimension_semantics<core_parallel>, #tpu.dimension_semantics<subcore_parallel>], iteration_bounds = array<i64: 2, 16>, scalar_prefetch = 0 : i64, scratch_operands = 7 : i64, tpu.core_type = #tpu.core_type<sc_vector_subcore>, window_params = [{transform_indices = #map}, {transform_indices = #map}, {transform_indices = #map1}, {transform_indices = #map}, {transform_indices = #map}]} {
    %mul3A = arith.constant 16 : i32
    %mul3A_0 = arith.muli %arg0, %mul3A : i32
    %add3A = arith.addi %mul3A_0, %arg1 : i32
    %mul3A_1 = arith.constant 632 : i32
    %mul3A_2 = arith.muli %arg1, %mul3A_1 : i32
    %scan3A = arith.constant 0 : i32
    %scan3A_3 = arith.constant 0 : i32
    %scan3A_4 = arith.constant 112 : i32
    %scan3A_5 = arith.addi %scan3A_3, %scan3A_4 : i32
    %scan3A_6 = arith.constant 1 : i32
    scf.for %scan3A_67 = %scan3A_3 to %scan3A_5 step %scan3A_6  : i32 {
      %broadcast_in_dim3A = arith.constant 1.000000e+00 : f32
      %broadcast_in_dim3A_68 = vector.broadcast %broadcast_in_dim3A : f32 to vector<16xf32>
      %swap3A = arith.index_cast %scan3A_67 : i32 to index
      %swap3A_69 = arith.constant 0 : index
      %swap3A_70 = tpu.vector_load %arg9[%swap3A, %swap3A_69] {strides = array<i32>} : memref<112x16xf32, #tpu.memory_space<vmem>>, vector<1x16xf32>,
      %swap3A_71 = vector.shape_cast %swap3A_70 : vector<1x16xf32> to vector<16xf32>
      %swap3A_72 = vector.shape_cast %broadcast_in_dim3A_68 : vector<16xf32> to vector<1x16xf32>
      tpu.vector_store %arg9[%swap3A, %swap3A_69], %swap3A_72 {strides = array<i32>} : memref<112x16xf32, #tpu.memory_space<vmem>>, vector<1x16xf32>,
    }
    %scan3A_7 = arith.constant 112 : i32
    %dma_start3A = arith.constant 0 : i32
    %dma_start3A_8 = tpu.memref_slice %arg10[%mul3A_2, %dma_start3A] : memref<10112x16xf32, #tpu.memory_space<vmem_shared>> -> memref<632x16xf32, #tpu.memory_space<vmem_shared>>
    tpu.enqueue_dma source(%arg4 : memref<632x16xf32, #tpu.memory_space<hbm>>) target(%dma_start3A_8 : memref<632x16xf32, #tpu.memory_space<vmem_shared>>) target_semaphore(%arg12 : memref<!tpu.dma_semaphore, #tpu.memory_space<semaphore_mem>>)
    %dma_start3A_9 = arith.constant 0 : i32
    %dma_start3A_10 = tpu.memref_slice %arg11[%mul3A_2, %dma_start3A_9] : memref<10112x16xf32, #tpu.memory_space<vmem_shared>> -> memref<632x16xf32, #tpu.memory_space<vmem_shared>>
    tpu.enqueue_dma source(%arg4 : memref<632x16xf32, #tpu.memory_space<hbm>>) target(%dma_start3A_10 : memref<632x16xf32, #tpu.memory_space<vmem_shared>>) target_semaphore(%arg13 : memref<!tpu.dma_semaphore, #tpu.memory_space<semaphore_mem>>)
    %dma_start3A_11 = arith.constant 0 : i32
    %dma_start3A_12 = arith.constant 0 : i32
    %dma_start3A_13 = tpu.memref_slice %arg2[%add3A, %dma_start3A_11, %dma_start3A_12] : memref<32x92x112xi32, #tpu.memory_space<hbm>> -> memref<1x92x112xi32, #tpu.memory_space<hbm>>
    %dma_start3A_14 = tpu.memref_squeeze %dma_start3A_13 : memref<1x92x112xi32, #tpu.memory_space<hbm>> -> memref<92x112xi32, #tpu.memory_space<hbm>>
    %dma_start3A_15 = arith.constant 0 : i32
    %dma_start3A_16 = arith.constant 0 : i32
    %dma_start3A_17 = tpu.memref_slice %arg2[%add3A, %dma_start3A_15, %dma_start3A_16] : memref<32x92x112xi32, #tpu.memory_space<hbm>> -> memref<1x92x112xi32, #tpu.memory_space<hbm>>
    %dma_start3A_18 = tpu.memref_squeeze %dma_start3A_17 : memref<1x92x112xi32, #tpu.memory_space<hbm>> -> memref<92x112xi32, #tpu.memory_space<hbm>>
    tpu.enqueue_dma source(%dma_start3A_18 : memref<92x112xi32, #tpu.memory_space<hbm>>) target(%arg7 : memref<92x112xi32, #tpu.memory_space<vmem>>) target_semaphore(%arg12 : memref<!tpu.dma_semaphore, #tpu.memory_space<semaphore_mem>>)
    %dma_start3A_19 = arith.constant 0 : i32
    %dma_start3A_20 = arith.constant 0 : i32
    %dma_start3A_21 = tpu.memref_slice %arg3[%add3A, %dma_start3A_19, %dma_start3A_20] : memref<32x92x112xi32, #tpu.memory_space<hbm>> -> memref<1x92x112xi32, #tpu.memory_space<hbm>>
    %dma_start3A_22 = tpu.memref_squeeze %dma_start3A_21 : memref<1x92x112xi32, #tpu.memory_space<hbm>> -> memref<92x112xi32, #tpu.memory_space<hbm>>
    %dma_start3A_23 = arith.constant 0 : i32
    %dma_start3A_24 = arith.constant 0 : i32
    %dma_start3A_25 = tpu.memref_slice %arg3[%add3A, %dma_start3A_23, %dma_start3A_24] : memref<32x92x112xi32, #tpu.memory_space<hbm>> -> memref<1x92x112xi32, #tpu.memory_space<hbm>>
    %dma_start3A_26 = tpu.memref_squeeze %dma_start3A_25 : memref<1x92x112xi32, #tpu.memory_space<hbm>> -> memref<92x112xi32, #tpu.memory_space<hbm>>
    tpu.enqueue_dma source(%dma_start3A_26 : memref<92x112xi32, #tpu.memory_space<hbm>>) target(%arg8 : memref<92x112xi32, #tpu.memory_space<vmem>>) target_semaphore(%arg13 : memref<!tpu.dma_semaphore, #tpu.memory_space<semaphore_mem>>)
    %dma_wait3A = arith.constant 0 : i32
    %dma_wait3A_27 = tpu.memref_slice %arg10[%mul3A_2, %dma_wait3A] : memref<10112x16xf32, #tpu.memory_space<vmem_shared>> -> memref<632x16xf32, #tpu.memory_space<vmem_shared>>
    tpu.wait_dma2 semaphore(%arg12 : memref<!tpu.dma_semaphore, #tpu.memory_space<semaphore_mem>>) src(%arg4 : memref<632x16xf32, #tpu.memory_space<hbm>>) dst(%dma_wait3A_27 : memref<632x16xf32, #tpu.memory_space<vmem_shared>>)
    %dma_wait3A_28 = arith.constant 0 : i32
    %dma_wait3A_29 = tpu.memref_slice %arg11[%mul3A_2, %dma_wait3A_28] : memref<10112x16xf32, #tpu.memory_space<vmem_shared>> -> memref<632x16xf32, #tpu.memory_space<vmem_shared>>
    tpu.wait_dma2 semaphore(%arg13 : memref<!tpu.dma_semaphore, #tpu.memory_space<semaphore_mem>>) src(%arg4 : memref<632x16xf32, #tpu.memory_space<hbm>>) dst(%dma_wait3A_29 : memref<632x16xf32, #tpu.memory_space<vmem_shared>>)
    %dma_wait3A_30 = arith.constant 0 : i32
    %dma_wait3A_31 = arith.constant 0 : i32
    %dma_wait3A_32 = tpu.memref_slice %arg2[%add3A, %dma_wait3A_30, %dma_wait3A_31] : memref<32x92x112xi32, #tpu.memory_space<hbm>> -> memref<1x92x112xi32, #tpu.memory_space<hbm>>
    %dma_wait3A_33 = tpu.memref_squeeze %dma_wait3A_32 : memref<1x92x112xi32, #tpu.memory_space<hbm>> -> memref<92x112xi32, #tpu.memory_space<hbm>>
    %dma_wait3A_34 = arith.constant 0 : i32
    %dma_wait3A_35 = arith.constant 0 : i32
    %dma_wait3A_36 = tpu.memref_slice %arg2[%add3A, %dma_wait3A_34, %dma_wait3A_35] : memref<32x92x112xi32, #tpu.memory_space<hbm>> -> memref<1x92x112xi32, #tpu.memory_space<hbm>>
    %dma_wait3A_37 = tpu.memref_squeeze %dma_wait3A_36 : memref<1x92x112xi32, #tpu.memory_space<hbm>> -> memref<92x112xi32, #tpu.memory_space<hbm>>
    tpu.wait_dma2 semaphore(%arg12 : memref<!tpu.dma_semaphore, #tpu.memory_space<semaphore_mem>>) src(%dma_wait3A_37 : memref<92x112xi32, #tpu.memory_space<hbm>>) dst(%arg7 : memref<92x112xi32, #tpu.memory_space<vmem>>)
    %dma_wait3A_38 = arith.constant 0 : i32
    %dma_wait3A_39 = arith.constant 0 : i32
    %dma_wait3A_40 = tpu.memref_slice %arg3[%add3A, %dma_wait3A_38, %dma_wait3A_39] : memref<32x92x112xi32, #tpu.memory_space<hbm>> -> memref<1x92x112xi32, #tpu.memory_space<hbm>>
    %dma_wait3A_41 = tpu.memref_squeeze %dma_wait3A_40 : memref<1x92x112xi32, #tpu.memory_space<hbm>> -> memref<92x112xi32, #tpu.memory_space<hbm>>
    %dma_wait3A_42 = arith.constant 0 : i32
    %dma_wait3A_43 = arith.constant 0 : i32
    %dma_wait3A_44 = tpu.memref_slice %arg3[%add3A, %dma_wait3A_42, %dma_wait3A_43] : memref<32x92x112xi32, #tpu.memory_space<hbm>> -> memref<1x92x112xi32, #tpu.memory_space<hbm>>
    %dma_wait3A_45 = tpu.memref_squeeze %dma_wait3A_44 : memref<1x92x112xi32, #tpu.memory_space<hbm>> -> memref<92x112xi32, #tpu.memory_space<hbm>>
    tpu.wait_dma2 semaphore(%arg13 : memref<!tpu.dma_semaphore, #tpu.memory_space<semaphore_mem>>) src(%dma_wait3A_45 : memref<92x112xi32, #tpu.memory_space<hbm>>) dst(%arg8 : memref<92x112xi32, #tpu.memory_space<vmem>>)
    %barrier3A = arith.constant 0 : index
    tpu.barrier barrier_id(%barrier3A)
    %scan3A_46 = arith.constant 0 : i32
    %scan3A_47 = arith.constant 0 : i32
    %scan3A_48 = arith.constant 92 : i32
    %scan3A_49 = arith.addi %scan3A_47, %scan3A_48 : i32
    %scan3A_50 = arith.constant 1 : i32
    scf.for %scan3A_67 = %scan3A_47 to %scan3A_49 step %scan3A_50  : i32 {
      %dma_start3A_68 = arith.constant 0 : i32
      %dma_start3A_69 = tpu.memref_slice %arg7[%scan3A_67, %dma_start3A_68] : memref<92x112xi32, #tpu.memory_space<vmem>> -> memref<1x112xi32, #tpu.memory_space<vmem>>
      %dma_start3A_70 = tpu.memref_squeeze %dma_start3A_69 : memref<1x112xi32, #tpu.memory_space<vmem>> -> memref<112xi32, #tpu.memory_space<vmem>>
      %dma_start3A_71 = arith.constant 0 : i32
      %dma_start3A_72 = arith.constant 0 : i32
      %dma_start3A_73 = tpu.memref_slice %arg10[%dma_start3A_71, %dma_start3A_72] : memref<10112x16xf32, #tpu.memory_space<vmem_shared>> -> memref<10112x16xf32, #tpu.memory_space<vmem_shared>>
      tpu.enqueue_indirect_dma source(%arg9 : memref<112x16xf32, #tpu.memory_space<vmem>>) target(%dma_start3A_73 : memref<10112x16xf32, #tpu.memory_space<vmem_shared>>) offsets(%dma_start3A_70 : memref<112xi32, #tpu.memory_space<vmem>>) semaphore(%arg12 : memref<!tpu.dma_semaphore, #tpu.memory_space<semaphore_mem>>) {add = true}
      %dma_start3A_74 = arith.constant 0 : i32
      %dma_start3A_75 = tpu.memref_slice %arg8[%scan3A_67, %dma_start3A_74] : memref<92x112xi32, #tpu.memory_space<vmem>> -> memref<1x112xi32, #tpu.memory_space<vmem>>
      %dma_start3A_76 = tpu.memref_squeeze %dma_start3A_75 : memref<1x112xi32, #tpu.memory_space<vmem>> -> memref<112xi32, #tpu.memory_space<vmem>>
      %dma_start3A_77 = arith.constant 0 : i32
      %dma_start3A_78 = arith.constant 0 : i32
      %dma_start3A_79 = tpu.memref_slice %arg11[%dma_start3A_77, %dma_start3A_78] : memref<10112x16xf32, #tpu.memory_space<vmem_shared>> -> memref<10112x16xf32, #tpu.memory_space<vmem_shared>>
      tpu.enqueue_indirect_dma source(%arg9 : memref<112x16xf32, #tpu.memory_space<vmem>>) target(%dma_start3A_79 : memref<10112x16xf32, #tpu.memory_space<vmem_shared>>) offsets(%dma_start3A_76 : memref<112xi32, #tpu.memory_space<vmem>>) semaphore(%arg13 : memref<!tpu.dma_semaphore, #tpu.memory_space<semaphore_mem>>) {add = true}
      %gt3A = arith.constant 0 : i32
      %gt3A_80 = arith.cmpi sgt, %scan3A_67, %gt3A : i32
      %convert_element_type3A = arith.extui %gt3A_80 : i1 to i32
      %cond3A = arith.constant 0 : i32
      %cond3A_81 = arith.cmpi ne, %convert_element_type3A, %cond3A : i32
      scf.if %cond3A_81 {
        %dma_wait3A_82 = arith.constant 0 : i32
        %dma_wait3A_83 = tpu.memref_slice %arg7[%scan3A_67, %dma_wait3A_82] : memref<92x112xi32, #tpu.memory_space<vmem>> -> memref<1x112xi32, #tpu.memory_space<vmem>>
        %dma_wait3A_84 = tpu.memref_squeeze %dma_wait3A_83 : memref<1x112xi32, #tpu.memory_space<vmem>> -> memref<112xi32, #tpu.memory_space<vmem>>
        %dma_wait3A_85 = arith.constant 0 : i32
        %dma_wait3A_86 = arith.constant 0 : i32
        %dma_wait3A_87 = tpu.memref_slice %arg10[%dma_wait3A_85, %dma_wait3A_86] : memref<10112x16xf32, #tpu.memory_space<vmem_shared>> -> memref<10112x16xf32, #tpu.memory_space<vmem_shared>>
        tpu.wait_indirect_dma semaphore(%arg12 : memref<!tpu.dma_semaphore, #tpu.memory_space<semaphore_mem>>) src(%arg9 : memref<112x16xf32, #tpu.memory_space<vmem>>) dst(%dma_wait3A_87 : memref<10112x16xf32, #tpu.memory_space<vmem_shared>>)
        %dma_wait3A_88 = arith.constant 0 : i32
        %dma_wait3A_89 = tpu.memref_slice %arg8[%scan3A_67, %dma_wait3A_88] : memref<92x112xi32, #tpu.memory_space<vmem>> -> memref<1x112xi32, #tpu.memory_space<vmem>>
        %dma_wait3A_90 = tpu.memref_squeeze %dma_wait3A_89 : memref<1x112xi32, #tpu.memory_space<vmem>> -> memref<112xi32, #tpu.memory_space<vmem>>
        %dma_wait3A_91 = arith.constant 0 : i32
        %dma_wait3A_92 = arith.constant 0 : i32
        %dma_wait3A_93 = tpu.memref_slice %arg11[%dma_wait3A_91, %dma_wait3A_92] : memref<10112x16xf32, #tpu.memory_space<vmem_shared>> -> memref<10112x16xf32, #tpu.memory_space<vmem_shared>>
        tpu.wait_indirect_dma semaphore(%arg13 : memref<!tpu.dma_semaphore, #tpu.memory_space<semaphore_mem>>) src(%arg9 : memref<112x16xf32, #tpu.memory_space<vmem>>) dst(%dma_wait3A_93 : memref<10112x16xf32, #tpu.memory_space<vmem_shared>>)
      } else {
      }
    }
    %scan3A_51 = arith.constant 92 : i32
    %dma_wait3A_52 = arith.constant 0 : i32
    %dma_wait3A_53 = arith.constant 0 : i32
    %dma_wait3A_54 = tpu.memref_slice %arg7[%dma_wait3A_52, %dma_wait3A_53] : memref<92x112xi32, #tpu.memory_space<vmem>> -> memref<1x112xi32, #tpu.memory_space<vmem>>
    %dma_wait3A_55 = tpu.memref_squeeze %dma_wait3A_54 : memref<1x112xi32, #tpu.memory_space<vmem>> -> memref<112xi32, #tpu.memory_space<vmem>>
    %dma_wait3A_56 = arith.constant 0 : i32
    %dma_wait3A_57 = arith.constant 0 : i32
    %dma_wait3A_58 = tpu.memref_slice %arg10[%dma_wait3A_56, %dma_wait3A_57] : memref<10112x16xf32, #tpu.memory_space<vmem_shared>> -> memref<10112x16xf32, #tpu.memory_space<vmem_shared>>
    tpu.wait_indirect_dma semaphore(%arg12 : memref<!tpu.dma_semaphore, #tpu.memory_space<semaphore_mem>>) src(%arg9 : memref<112x16xf32, #tpu.memory_space<vmem>>) dst(%dma_wait3A_58 : memref<10112x16xf32, #tpu.memory_space<vmem_shared>>)
    %dma_wait3A_59 = arith.constant 0 : i32
    %dma_wait3A_60 = arith.constant 0 : i32
    %dma_wait3A_61 = tpu.memref_slice %arg8[%dma_wait3A_59, %dma_wait3A_60] : memref<92x112xi32, #tpu.memory_space<vmem>> -> memref<1x112xi32, #tpu.memory_space<vmem>>
    %dma_wait3A_62 = tpu.memref_squeeze %dma_wait3A_61 : memref<1x112xi32, #tpu.memory_space<vmem>> -> memref<112xi32, #tpu.memory_space<vmem>>
    %dma_wait3A_63 = arith.constant 0 : i32
    %dma_wait3A_64 = arith.constant 0 : i32
    %dma_wait3A_65 = tpu.memref_slice %arg11[%dma_wait3A_63, %dma_wait3A_64] : memref<10112x16xf32, #tpu.memory_space<vmem_shared>> -> memref<10112x16xf32, #tpu.memory_space<vmem_shared>>
    tpu.wait_indirect_dma semaphore(%arg13 : memref<!tpu.dma_semaphore, #tpu.memory_space<semaphore_mem>>) src(%arg9 : memref<112x16xf32, #tpu.memory_space<vmem>>) dst(%dma_wait3A_65 : memref<10112x16xf32, #tpu.memory_space<vmem_shared>>)
    %barrier3A_66 = arith.constant 0 : index
    tpu.barrier barrier_id(%barrier3A_66)
    "tpu.region"() ({
      %run_scoped3A = tpu.sem_alloc : memref<!tpu.dma_semaphore, #tpu.memory_space<semaphore_mem>>
      %dma_start3A_67 = arith.constant 0 : i32
      %dma_start3A_68 = tpu.memref_slice %arg5[%arg0, %mul3A_2, %dma_start3A_67] : memref<2x10112x16xf32, #tpu.memory_space<hbm>> -> memref<1x632x16xf32, #tpu.memory_space<hbm>>
      %dma_start3A_69 = tpu.memref_squeeze %dma_start3A_68 : memref<1x632x16xf32, #tpu.memory_space<hbm>> -> memref<632x16xf32, #tpu.memory_space<hbm>>
      %dma_start3A_70 = arith.constant 0 : i32
      %dma_start3A_71 = tpu.memref_slice %arg10[%mul3A_2, %dma_start3A_70] : memref<10112x16xf32, #tpu.memory_space<vmem_shared>> -> memref<632x16xf32, #tpu.memory_space<vmem_shared>>
      tpu.enqueue_dma source(%dma_start3A_71 : memref<632x16xf32, #tpu.memory_space<vmem_shared>>) target(%dma_start3A_69 : memref<632x16xf32, #tpu.memory_space<hbm>>) target_semaphore(%run_scoped3A : memref<!tpu.dma_semaphore, #tpu.memory_space<semaphore_mem>>)
      %dma_wait3A_72 = arith.constant 0 : i32
      %dma_wait3A_73 = tpu.memref_slice %arg5[%arg0, %mul3A_2, %dma_wait3A_72] : memref<2x10112x16xf32, #tpu.memory_space<hbm>> -> memref<1x632x16xf32, #tpu.memory_space<hbm>>
      %dma_wait3A_74 = tpu.memref_squeeze %dma_wait3A_73 : memref<1x632x16xf32, #tpu.memory_space<hbm>> -> memref<632x16xf32, #tpu.memory_space<hbm>>
      %dma_wait3A_75 = arith.constant 0 : i32
      %dma_wait3A_76 = tpu.memref_slice %arg10[%mul3A_2, %dma_wait3A_75] : memref<10112x16xf32, #tpu.memory_space<vmem_shared>> -> memref<632x16xf32, #tpu.memory_space<vmem_shared>>
      tpu.wait_dma2 semaphore(%run_scoped3A : memref<!tpu.dma_semaphore, #tpu.memory_space<semaphore_mem>>) src(%dma_wait3A_76 : memref<632x16xf32, #tpu.memory_space<vmem_shared>>) dst(%dma_wait3A_74 : memref<632x16xf32, #tpu.memory_space<hbm>>)
      tpu.yield
    }) : () -> ()
    "tpu.region"() ({
      %run_scoped3A = tpu.sem_alloc : memref<!tpu.dma_semaphore, #tpu.memory_space<semaphore_mem>>
      %dma_start3A_67 = arith.constant 0 : i32
      %dma_start3A_68 = tpu.memref_slice %arg6[%arg0, %mul3A_2, %dma_start3A_67] : memref<2x10112x16xf32, #tpu.memory_space<hbm>> -> memref<1x632x16xf32, #tpu.memory_space<hbm>>
      %dma_start3A_69 = tpu.memref_squeeze %dma_start3A_68 : memref<1x632x16xf32, #tpu.memory_space<hbm>> -> memref<632x16xf32, #tpu.memory_space<hbm>>
      %dma_start3A_70 = arith.constant 0 : i32
      %dma_start3A_71 = tpu.memref_slice %arg11[%mul3A_2, %dma_start3A_70] : memref<10112x16xf32, #tpu.memory_space<vmem_shared>> -> memref<632x16xf32, #tpu.memory_space<vmem_shared>>
      tpu.enqueue_dma source(%dma_start3A_71 : memref<632x16xf32, #tpu.memory_space<vmem_shared>>) target(%dma_start3A_69 : memref<632x16xf32, #tpu.memory_space<hbm>>) target_semaphore(%run_scoped3A : memref<!tpu.dma_semaphore, #tpu.memory_space<semaphore_mem>>)
      %dma_wait3A_72 = arith.constant 0 : i32
      %dma_wait3A_73 = tpu.memref_slice %arg6[%arg0, %mul3A_2, %dma_wait3A_72] : memref<2x10112x16xf32, #tpu.memory_space<hbm>> -> memref<1x632x16xf32, #tpu.memory_space<hbm>>
      %dma_wait3A_74 = tpu.memref_squeeze %dma_wait3A_73 : memref<1x632x16xf32, #tpu.memory_space<hbm>> -> memref<632x16xf32, #tpu.memory_space<hbm>>
      %dma_wait3A_75 = arith.constant 0 : i32
      %dma_wait3A_76 = tpu.memref_slice %arg11[%mul3A_2, %dma_wait3A_75] : memref<10112x16xf32, #tpu.memory_space<vmem_shared>> -> memref<632x16xf32, #tpu.memory_space<vmem_shared>>
      tpu.wait_dma2 semaphore(%run_scoped3A : memref<!tpu.dma_semaphore, #tpu.memory_space<semaphore_mem>>) src(%dma_wait3A_76 : memref<632x16xf32, #tpu.memory_space<vmem_shared>>) dst(%dma_wait3A_74 : memref<632x16xf32, #tpu.memory_space<hbm>>)
      tpu.yield
    }) : () -> ()
    return
  }
}

#map = affine_map<(d0, d1) -> (0, 0)>
#map1 = affine_map<(d0, d1) -> (0, 0, 0)>
module attributes {stable_mosaic.version = 14 : i64} {
  func.func @k(%arg0: i32, %arg1: i32, %arg2: memref<10000x128xf32, #tpu.memory_space<hbm>>, %arg3: memref<32x92x112xi32, #tpu.memory_space<hbm>>, %arg4: memref<32x92x112xi32, #tpu.memory_space<hbm>>, %arg5: memref<632x128xf32, #tpu.memory_space<hbm>>, %arg6: memref<2x10112x128xf32, #tpu.memory_space<hbm>>, %arg7: memref<92x112xi32, #tpu.memory_space<vmem>>, %arg8: memref<92x112xi32, #tpu.memory_space<vmem>>, %arg9: memref<112x128xf32, #tpu.memory_space<vmem>>, %arg10: memref<112x128xf32, #tpu.memory_space<vmem>>, %arg11: memref<10112x128xf32, #tpu.memory_space<vmem_shared>>, %arg12: memref<!tpu.dma_semaphore, #tpu.memory_space<semaphore_mem>>, %arg13: memref<!tpu.dma_semaphore, #tpu.memory_space<semaphore_mem>>) attributes {dimension_semantics = [#tpu.dimension_semantics<core_parallel>, #tpu.dimension_semantics<subcore_parallel>], iteration_bounds = array<i64: 2, 16>, scalar_prefetch = 0 : i64, scratch_operands = 7 : i64, tpu.core_type = #tpu.core_type<sc_vector_subcore>, window_params = [{transform_indices = #map}, {transform_indices = #map1}, {transform_indices = #map1}, {transform_indices = #map}, {transform_indices = #map1}]} {
    %mul3A = arith.constant 16 : i32
    %mul3A_0 = arith.muli %arg0, %mul3A : i32
    %add3A = arith.addi %mul3A_0, %arg1 : i32
    %mul3A_1 = arith.constant 632 : i32
    %mul3A_2 = arith.muli %arg1, %mul3A_1 : i32
    %dma_start3A = arith.constant 0 : i32
    %dma_start3A_3 = tpu.memref_slice %arg11[%mul3A_2, %dma_start3A] : memref<10112x128xf32, #tpu.memory_space<vmem_shared>> -> memref<632x128xf32, #tpu.memory_space<vmem_shared>>
    tpu.enqueue_dma source(%arg5 : memref<632x128xf32, #tpu.memory_space<hbm>>) target(%dma_start3A_3 : memref<632x128xf32, #tpu.memory_space<vmem_shared>>) target_semaphore(%arg12 : memref<!tpu.dma_semaphore, #tpu.memory_space<semaphore_mem>>)
    %dma_start3A_4 = arith.constant 0 : i32
    %dma_start3A_5 = arith.constant 0 : i32
    %dma_start3A_6 = tpu.memref_slice %arg3[%add3A, %dma_start3A_4, %dma_start3A_5] : memref<32x92x112xi32, #tpu.memory_space<hbm>> -> memref<1x92x112xi32, #tpu.memory_space<hbm>>
    %dma_start3A_7 = tpu.memref_squeeze %dma_start3A_6 : memref<1x92x112xi32, #tpu.memory_space<hbm>> -> memref<92x112xi32, #tpu.memory_space<hbm>>
    %dma_start3A_8 = arith.constant 0 : i32
    %dma_start3A_9 = arith.constant 0 : i32
    %dma_start3A_10 = tpu.memref_slice %arg3[%add3A, %dma_start3A_8, %dma_start3A_9] : memref<32x92x112xi32, #tpu.memory_space<hbm>> -> memref<1x92x112xi32, #tpu.memory_space<hbm>>
    %dma_start3A_11 = tpu.memref_squeeze %dma_start3A_10 : memref<1x92x112xi32, #tpu.memory_space<hbm>> -> memref<92x112xi32, #tpu.memory_space<hbm>>
    tpu.enqueue_dma source(%dma_start3A_11 : memref<92x112xi32, #tpu.memory_space<hbm>>) target(%arg7 : memref<92x112xi32, #tpu.memory_space<vmem>>) target_semaphore(%arg12 : memref<!tpu.dma_semaphore, #tpu.memory_space<semaphore_mem>>)
    %dma_start3A_12 = arith.constant 0 : i32
    %dma_start3A_13 = arith.constant 0 : i32
    %dma_start3A_14 = tpu.memref_slice %arg4[%add3A, %dma_start3A_12, %dma_start3A_13] : memref<32x92x112xi32, #tpu.memory_space<hbm>> -> memref<1x92x112xi32, #tpu.memory_space<hbm>>
    %dma_start3A_15 = tpu.memref_squeeze %dma_start3A_14 : memref<1x92x112xi32, #tpu.memory_space<hbm>> -> memref<92x112xi32, #tpu.memory_space<hbm>>
    %dma_start3A_16 = arith.constant 0 : i32
    %dma_start3A_17 = arith.constant 0 : i32
    %dma_start3A_18 = tpu.memref_slice %arg4[%add3A, %dma_start3A_16, %dma_start3A_17] : memref<32x92x112xi32, #tpu.memory_space<hbm>> -> memref<1x92x112xi32, #tpu.memory_space<hbm>>
    %dma_start3A_19 = tpu.memref_squeeze %dma_start3A_18 : memref<1x92x112xi32, #tpu.memory_space<hbm>> -> memref<92x112xi32, #tpu.memory_space<hbm>>
    tpu.enqueue_dma source(%dma_start3A_19 : memref<92x112xi32, #tpu.memory_space<hbm>>) target(%arg8 : memref<92x112xi32, #tpu.memory_space<vmem>>) target_semaphore(%arg13 : memref<!tpu.dma_semaphore, #tpu.memory_space<semaphore_mem>>)
    %dma_wait3A = arith.constant 0 : i32
    %dma_wait3A_20 = tpu.memref_slice %arg11[%mul3A_2, %dma_wait3A] : memref<10112x128xf32, #tpu.memory_space<vmem_shared>> -> memref<632x128xf32, #tpu.memory_space<vmem_shared>>
    tpu.wait_dma2 semaphore(%arg12 : memref<!tpu.dma_semaphore, #tpu.memory_space<semaphore_mem>>) src(%arg5 : memref<632x128xf32, #tpu.memory_space<hbm>>) dst(%dma_wait3A_20 : memref<632x128xf32, #tpu.memory_space<vmem_shared>>)
    %dma_wait3A_21 = arith.constant 0 : i32
    %dma_wait3A_22 = arith.constant 0 : i32
    %dma_wait3A_23 = tpu.memref_slice %arg3[%add3A, %dma_wait3A_21, %dma_wait3A_22] : memref<32x92x112xi32, #tpu.memory_space<hbm>> -> memref<1x92x112xi32, #tpu.memory_space<hbm>>
    %dma_wait3A_24 = tpu.memref_squeeze %dma_wait3A_23 : memref<1x92x112xi32, #tpu.memory_space<hbm>> -> memref<92x112xi32, #tpu.memory_space<hbm>>
    %dma_wait3A_25 = arith.constant 0 : i32
    %dma_wait3A_26 = arith.constant 0 : i32
    %dma_wait3A_27 = tpu.memref_slice %arg3[%add3A, %dma_wait3A_25, %dma_wait3A_26] : memref<32x92x112xi32, #tpu.memory_space<hbm>> -> memref<1x92x112xi32, #tpu.memory_space<hbm>>
    %dma_wait3A_28 = tpu.memref_squeeze %dma_wait3A_27 : memref<1x92x112xi32, #tpu.memory_space<hbm>> -> memref<92x112xi32, #tpu.memory_space<hbm>>
    tpu.wait_dma2 semaphore(%arg12 : memref<!tpu.dma_semaphore, #tpu.memory_space<semaphore_mem>>) src(%dma_wait3A_28 : memref<92x112xi32, #tpu.memory_space<hbm>>) dst(%arg7 : memref<92x112xi32, #tpu.memory_space<vmem>>)
    %dma_wait3A_29 = arith.constant 0 : i32
    %dma_wait3A_30 = arith.constant 0 : i32
    %dma_wait3A_31 = tpu.memref_slice %arg4[%add3A, %dma_wait3A_29, %dma_wait3A_30] : memref<32x92x112xi32, #tpu.memory_space<hbm>> -> memref<1x92x112xi32, #tpu.memory_space<hbm>>
    %dma_wait3A_32 = tpu.memref_squeeze %dma_wait3A_31 : memref<1x92x112xi32, #tpu.memory_space<hbm>> -> memref<92x112xi32, #tpu.memory_space<hbm>>
    %dma_wait3A_33 = arith.constant 0 : i32
    %dma_wait3A_34 = arith.constant 0 : i32
    %dma_wait3A_35 = tpu.memref_slice %arg4[%add3A, %dma_wait3A_33, %dma_wait3A_34] : memref<32x92x112xi32, #tpu.memory_space<hbm>> -> memref<1x92x112xi32, #tpu.memory_space<hbm>>
    %dma_wait3A_36 = tpu.memref_squeeze %dma_wait3A_35 : memref<1x92x112xi32, #tpu.memory_space<hbm>> -> memref<92x112xi32, #tpu.memory_space<hbm>>
    tpu.wait_dma2 semaphore(%arg13 : memref<!tpu.dma_semaphore, #tpu.memory_space<semaphore_mem>>) src(%dma_wait3A_36 : memref<92x112xi32, #tpu.memory_space<hbm>>) dst(%arg8 : memref<92x112xi32, #tpu.memory_space<vmem>>)
    %barrier3A = arith.constant 0 : index
    tpu.barrier barrier_id(%barrier3A)
    %dma_start3A_37 = arith.constant 0 : i32
    %dma_start3A_38 = arith.constant 0 : i32
    %dma_start3A_39 = tpu.memref_slice %arg7[%dma_start3A_37, %dma_start3A_38] : memref<92x112xi32, #tpu.memory_space<vmem>> -> memref<1x112xi32, #tpu.memory_space<vmem>>
    %dma_start3A_40 = tpu.memref_squeeze %dma_start3A_39 : memref<1x112xi32, #tpu.memory_space<vmem>> -> memref<112xi32, #tpu.memory_space<vmem>>
    %dma_start3A_41 = arith.constant 0 : i32
    %dma_start3A_42 = arith.constant 0 : i32
    %dma_start3A_43 = tpu.memref_slice %arg2[%dma_start3A_41, %dma_start3A_42] : memref<10000x128xf32, #tpu.memory_space<hbm>> -> memref<10000x128xf32, #tpu.memory_space<hbm>>
    tpu.enqueue_indirect_dma source(%dma_start3A_43 : memref<10000x128xf32, #tpu.memory_space<hbm>>) target(%arg9 : memref<112x128xf32, #tpu.memory_space<vmem>>) offsets(%dma_start3A_40 : memref<112xi32, #tpu.memory_space<vmem>>) semaphore(%arg12 : memref<!tpu.dma_semaphore, #tpu.memory_space<semaphore_mem>>)
    %dma_start3A_44 = arith.constant 1 : i32
    %dma_start3A_45 = arith.constant 0 : i32
    %dma_start3A_46 = tpu.memref_slice %arg7[%dma_start3A_44, %dma_start3A_45] : memref<92x112xi32, #tpu.memory_space<vmem>> -> memref<1x112xi32, #tpu.memory_space<vmem>>
    %dma_start3A_47 = tpu.memref_squeeze %dma_start3A_46 : memref<1x112xi32, #tpu.memory_space<vmem>> -> memref<112xi32, #tpu.memory_space<vmem>>
    %dma_start3A_48 = arith.constant 0 : i32
    %dma_start3A_49 = arith.constant 0 : i32
    %dma_start3A_50 = tpu.memref_slice %arg2[%dma_start3A_48, %dma_start3A_49] : memref<10000x128xf32, #tpu.memory_space<hbm>> -> memref<10000x128xf32, #tpu.memory_space<hbm>>
    tpu.enqueue_indirect_dma source(%dma_start3A_50 : memref<10000x128xf32, #tpu.memory_space<hbm>>) target(%arg10 : memref<112x128xf32, #tpu.memory_space<vmem>>) offsets(%dma_start3A_47 : memref<112xi32, #tpu.memory_space<vmem>>) semaphore(%arg13 : memref<!tpu.dma_semaphore, #tpu.memory_space<semaphore_mem>>)
    %scan3A = arith.constant 0 : i32
    %scan3A_51 = arith.constant 0 : i32
    %scan3A_52 = arith.constant 46 : i32
    %scan3A_53 = arith.addi %scan3A_51, %scan3A_52 : i32
    %scan3A_54 = arith.constant 1 : i32
    scf.for %scan3A_57 = %scan3A_51 to %scan3A_53 step %scan3A_54  : i32 {
      %mul3A_58 = arith.constant 2 : i32
      %mul3A_59 = arith.muli %scan3A_57, %mul3A_58 : i32
      %add3A_60 = arith.constant 0 : i32
      %add3A_61 = arith.addi %mul3A_59, %add3A_60 : i32
      %dma_wait3A_62 = arith.constant 0 : i32
      %dma_wait3A_63 = tpu.memref_slice %arg7[%add3A_61, %dma_wait3A_62] : memref<92x112xi32, #tpu.memory_space<vmem>> -> memref<1x112xi32, #tpu.memory_space<vmem>>
      %dma_wait3A_64 = tpu.memref_squeeze %dma_wait3A_63 : memref<1x112xi32, #tpu.memory_space<vmem>> -> memref<112xi32, #tpu.memory_space<vmem>>
      %dma_wait3A_65 = arith.constant 0 : i32
      %dma_wait3A_66 = arith.constant 0 : i32
      %dma_wait3A_67 = tpu.memref_slice %arg2[%dma_wait3A_65, %dma_wait3A_66] : memref<10000x128xf32, #tpu.memory_space<hbm>> -> memref<10000x128xf32, #tpu.memory_space<hbm>>
      tpu.wait_indirect_dma semaphore(%arg12 : memref<!tpu.dma_semaphore, #tpu.memory_space<semaphore_mem>>) src(%dma_wait3A_67 : memref<10000x128xf32, #tpu.memory_space<hbm>>) dst(%arg9 : memref<112x128xf32, #tpu.memory_space<vmem>>)
      %add3A_68 = arith.constant 0 : i32
      %add3A_69 = arith.addi %mul3A_59, %add3A_68 : i32
      "tpu.region"() ({
        %run_scoped3A = tpu.sem_alloc : memref<!tpu.dma_semaphore, #tpu.memory_space<semaphore_mem>>
        %dma_start3A_95 = arith.constant 0 : i32
        %dma_start3A_96 = tpu.memref_slice %arg8[%add3A_69, %dma_start3A_95] : memref<92x112xi32, #tpu.memory_space<vmem>> -> memref<1x112xi32, #tpu.memory_space<vmem>>
        %dma_start3A_97 = tpu.memref_squeeze %dma_start3A_96 : memref<1x112xi32, #tpu.memory_space<vmem>> -> memref<112xi32, #tpu.memory_space<vmem>>
        %dma_start3A_98 = arith.constant 0 : i32
        %dma_start3A_99 = arith.constant 0 : i32
        %dma_start3A_100 = tpu.memref_slice %arg11[%dma_start3A_98, %dma_start3A_99] : memref<10112x128xf32, #tpu.memory_space<vmem_shared>> -> memref<10112x128xf32, #tpu.memory_space<vmem_shared>>
        tpu.enqueue_indirect_dma source(%arg9 : memref<112x128xf32, #tpu.memory_space<vmem>>) target(%dma_start3A_100 : memref<10112x128xf32, #tpu.memory_space<vmem_shared>>) offsets(%dma_start3A_97 : memref<112xi32, #tpu.memory_space<vmem>>) semaphore(%run_scoped3A : memref<!tpu.dma_semaphore, #tpu.memory_space<semaphore_mem>>) {add = true}
        %dma_wait3A_101 = arith.constant 0 : i32
        %dma_wait3A_102 = tpu.memref_slice %arg8[%add3A_69, %dma_wait3A_101] : memref<92x112xi32, #tpu.memory_space<vmem>> -> memref<1x112xi32, #tpu.memory_space<vmem>>
        %dma_wait3A_103 = tpu.memref_squeeze %dma_wait3A_102 : memref<1x112xi32, #tpu.memory_space<vmem>> -> memref<112xi32, #tpu.memory_space<vmem>>
        %dma_wait3A_104 = arith.constant 0 : i32
        %dma_wait3A_105 = arith.constant 0 : i32
        %dma_wait3A_106 = tpu.memref_slice %arg11[%dma_wait3A_104, %dma_wait3A_105] : memref<10112x128xf32, #tpu.memory_space<vmem_shared>> -> memref<10112x128xf32, #tpu.memory_space<vmem_shared>>
        tpu.wait_indirect_dma semaphore(%run_scoped3A : memref<!tpu.dma_semaphore, #tpu.memory_space<semaphore_mem>>) src(%arg9 : memref<112x128xf32, #tpu.memory_space<vmem>>) dst(%dma_wait3A_106 : memref<10112x128xf32, #tpu.memory_space<vmem_shared>>)
        tpu.yield
      }) : () -> ()
      %add3A_70 = arith.constant 0 : i32
      %add3A_71 = arith.addi %mul3A_59, %add3A_70 : i32
      %add3A_72 = arith.constant 2 : i32
      %add3A_73 = arith.addi %add3A_71, %add3A_72 : i32
      %lt3A = arith.constant 92 : i32
      %lt3A_74 = arith.cmpi slt, %add3A_73, %lt3A : i32
      %convert_element_type3A = arith.extui %lt3A_74 : i1 to i32
      %cond3A = arith.constant 0 : i32
      %cond3A_75 = arith.cmpi ne, %convert_element_type3A, %cond3A : i32
      scf.if %cond3A_75 {
        %add3A_95 = arith.constant 0 : i32
        %add3A_96 = arith.addi %mul3A_59, %add3A_95 : i32
        %add3A_97 = arith.constant 2 : i32
        %add3A_98 = arith.addi %add3A_96, %add3A_97 : i32
        %dma_start3A_99 = arith.constant 0 : i32
        %dma_start3A_100 = tpu.memref_slice %arg7[%add3A_98, %dma_start3A_99] : memref<92x112xi32, #tpu.memory_space<vmem>> -> memref<1x112xi32, #tpu.memory_space<vmem>>
        %dma_start3A_101 = tpu.memref_squeeze %dma_start3A_100 : memref<1x112xi32, #tpu.memory_space<vmem>> -> memref<112xi32, #tpu.memory_space<vmem>>
        %dma_start3A_102 = arith.constant 0 : i32
        %dma_start3A_103 = arith.constant 0 : i32
        %dma_start3A_104 = tpu.memref_slice %arg2[%dma_start3A_102, %dma_start3A_103] : memref<10000x128xf32, #tpu.memory_space<hbm>> -> memref<10000x128xf32, #tpu.memory_space<hbm>>
        tpu.enqueue_indirect_dma source(%dma_start3A_104 : memref<10000x128xf32, #tpu.memory_space<hbm>>) target(%arg9 : memref<112x128xf32, #tpu.memory_space<vmem>>) offsets(%dma_start3A_101 : memref<112xi32, #tpu.memory_space<vmem>>) semaphore(%arg12 : memref<!tpu.dma_semaphore, #tpu.memory_space<semaphore_mem>>)
      } else {
      }
      %add3A_76 = arith.constant 1 : i32
      %add3A_77 = arith.addi %mul3A_59, %add3A_76 : i32
      %dma_wait3A_78 = arith.constant 0 : i32
      %dma_wait3A_79 = tpu.memref_slice %arg7[%add3A_77, %dma_wait3A_78] : memref<92x112xi32, #tpu.memory_space<vmem>> -> memref<1x112xi32, #tpu.memory_space<vmem>>
      %dma_wait3A_80 = tpu.memref_squeeze %dma_wait3A_79 : memref<1x112xi32, #tpu.memory_space<vmem>> -> memref<112xi32, #tpu.memory_space<vmem>>
      %dma_wait3A_81 = arith.constant 0 : i32
      %dma_wait3A_82 = arith.constant 0 : i32
      %dma_wait3A_83 = tpu.memref_slice %arg2[%dma_wait3A_81, %dma_wait3A_82] : memref<10000x128xf32, #tpu.memory_space<hbm>> -> memref<10000x128xf32, #tpu.memory_space<hbm>>
      tpu.wait_indirect_dma semaphore(%arg13 : memref<!tpu.dma_semaphore, #tpu.memory_space<semaphore_mem>>) src(%dma_wait3A_83 : memref<10000x128xf32, #tpu.memory_space<hbm>>) dst(%arg10 : memref<112x128xf32, #tpu.memory_space<vmem>>)
      %add3A_84 = arith.constant 1 : i32
      %add3A_85 = arith.addi %mul3A_59, %add3A_84 : i32
      "tpu.region"() ({
        %run_scoped3A = tpu.sem_alloc : memref<!tpu.dma_semaphore, #tpu.memory_space<semaphore_mem>>
        %dma_start3A_95 = arith.constant 0 : i32
        %dma_start3A_96 = tpu.memref_slice %arg8[%add3A_85, %dma_start3A_95] : memref<92x112xi32, #tpu.memory_space<vmem>> -> memref<1x112xi32, #tpu.memory_space<vmem>>
        %dma_start3A_97 = tpu.memref_squeeze %dma_start3A_96 : memref<1x112xi32, #tpu.memory_space<vmem>> -> memref<112xi32, #tpu.memory_space<vmem>>
        %dma_start3A_98 = arith.constant 0 : i32
        %dma_start3A_99 = arith.constant 0 : i32
        %dma_start3A_100 = tpu.memref_slice %arg11[%dma_start3A_98, %dma_start3A_99] : memref<10112x128xf32, #tpu.memory_space<vmem_shared>> -> memref<10112x128xf32, #tpu.memory_space<vmem_shared>>
        tpu.enqueue_indirect_dma source(%arg10 : memref<112x128xf32, #tpu.memory_space<vmem>>) target(%dma_start3A_100 : memref<10112x128xf32, #tpu.memory_space<vmem_shared>>) offsets(%dma_start3A_97 : memref<112xi32, #tpu.memory_space<vmem>>) semaphore(%run_scoped3A : memref<!tpu.dma_semaphore, #tpu.memory_space<semaphore_mem>>) {add = true}
        %dma_wait3A_101 = arith.constant 0 : i32
        %dma_wait3A_102 = tpu.memref_slice %arg8[%add3A_85, %dma_wait3A_101] : memref<92x112xi32, #tpu.memory_space<vmem>> -> memref<1x112xi32, #tpu.memory_space<vmem>>
        %dma_wait3A_103 = tpu.memref_squeeze %dma_wait3A_102 : memref<1x112xi32, #tpu.memory_space<vmem>> -> memref<112xi32, #tpu.memory_space<vmem>>
        %dma_wait3A_104 = arith.constant 0 : i32
        %dma_wait3A_105 = arith.constant 0 : i32
        %dma_wait3A_106 = tpu.memref_slice %arg11[%dma_wait3A_104, %dma_wait3A_105] : memref<10112x128xf32, #tpu.memory_space<vmem_shared>> -> memref<10112x128xf32, #tpu.memory_space<vmem_shared>>
        tpu.wait_indirect_dma semaphore(%run_scoped3A : memref<!tpu.dma_semaphore, #tpu.memory_space<semaphore_mem>>) src(%arg10 : memref<112x128xf32, #tpu.memory_space<vmem>>) dst(%dma_wait3A_106 : memref<10112x128xf32, #tpu.memory_space<vmem_shared>>)
        tpu.yield
      }) : () -> ()
      %add3A_86 = arith.constant 1 : i32
      %add3A_87 = arith.addi %mul3A_59, %add3A_86 : i32
      %add3A_88 = arith.constant 2 : i32
      %add3A_89 = arith.addi %add3A_87, %add3A_88 : i32
      %lt3A_90 = arith.constant 92 : i32
      %lt3A_91 = arith.cmpi slt, %add3A_89, %lt3A_90 : i32
      %convert_element_type3A_92 = arith.extui %lt3A_91 : i1 to i32
      %cond3A_93 = arith.constant 0 : i32
      %cond3A_94 = arith.cmpi ne, %convert_element_type3A_92, %cond3A_93 : i32
      scf.if %cond3A_94 {
        %add3A_95 = arith.constant 1 : i32
        %add3A_96 = arith.addi %mul3A_59, %add3A_95 : i32
        %add3A_97 = arith.constant 2 : i32
        %add3A_98 = arith.addi %add3A_96, %add3A_97 : i32
        %dma_start3A_99 = arith.constant 0 : i32
        %dma_start3A_100 = tpu.memref_slice %arg7[%add3A_98, %dma_start3A_99] : memref<92x112xi32, #tpu.memory_space<vmem>> -> memref<1x112xi32, #tpu.memory_space<vmem>>
        %dma_start3A_101 = tpu.memref_squeeze %dma_start3A_100 : memref<1x112xi32, #tpu.memory_space<vmem>> -> memref<112xi32, #tpu.memory_space<vmem>>
        %dma_start3A_102 = arith.constant 0 : i32
        %dma_start3A_103 = arith.constant 0 : i32
        %dma_start3A_104 = tpu.memref_slice %arg2[%dma_start3A_102, %dma_start3A_103] : memref<10000x128xf32, #tpu.memory_space<hbm>> -> memref<10000x128xf32, #tpu.memory_space<hbm>>
        tpu.enqueue_indirect_dma source(%dma_start3A_104 : memref<10000x128xf32, #tpu.memory_space<hbm>>) target(%arg10 : memref<112x128xf32, #tpu.memory_space<vmem>>) offsets(%dma_start3A_101 : memref<112xi32, #tpu.memory_space<vmem>>) semaphore(%arg13 : memref<!tpu.dma_semaphore, #tpu.memory_space<semaphore_mem>>)
      } else {
      }
    }
    %scan3A_55 = arith.constant 46 : i32
    %barrier3A_56 = arith.constant 0 : index
    tpu.barrier barrier_id(%barrier3A_56)
    "tpu.region"() ({
      %run_scoped3A = tpu.sem_alloc : memref<!tpu.dma_semaphore, #tpu.memory_space<semaphore_mem>>
      %dma_start3A_57 = arith.constant 0 : i32
      %dma_start3A_58 = tpu.memref_slice %arg6[%arg0, %mul3A_2, %dma_start3A_57] : memref<2x10112x128xf32, #tpu.memory_space<hbm>> -> memref<1x632x128xf32, #tpu.memory_space<hbm>>
      %dma_start3A_59 = tpu.memref_squeeze %dma_start3A_58 : memref<1x632x128xf32, #tpu.memory_space<hbm>> -> memref<632x128xf32, #tpu.memory_space<hbm>>
      %dma_start3A_60 = arith.constant 0 : i32
      %dma_start3A_61 = tpu.memref_slice %arg11[%mul3A_2, %dma_start3A_60] : memref<10112x128xf32, #tpu.memory_space<vmem_shared>> -> memref<632x128xf32, #tpu.memory_space<vmem_shared>>
      tpu.enqueue_dma source(%dma_start3A_61 : memref<632x128xf32, #tpu.memory_space<vmem_shared>>) target(%dma_start3A_59 : memref<632x128xf32, #tpu.memory_space<hbm>>) target_semaphore(%run_scoped3A : memref<!tpu.dma_semaphore, #tpu.memory_space<semaphore_mem>>)
      %dma_wait3A_62 = arith.constant 0 : i32
      %dma_wait3A_63 = tpu.memref_slice %arg6[%arg0, %mul3A_2, %dma_wait3A_62] : memref<2x10112x128xf32, #tpu.memory_space<hbm>> -> memref<1x632x128xf32, #tpu.memory_space<hbm>>
      %dma_wait3A_64 = tpu.memref_squeeze %dma_wait3A_63 : memref<1x632x128xf32, #tpu.memory_space<hbm>> -> memref<632x128xf32, #tpu.memory_space<hbm>>
      %dma_wait3A_65 = arith.constant 0 : i32
      %dma_wait3A_66 = tpu.memref_slice %arg11[%mul3A_2, %dma_wait3A_65] : memref<10112x128xf32, #tpu.memory_space<vmem_shared>> -> memref<632x128xf32, #tpu.memory_space<vmem_shared>>
      tpu.wait_dma2 semaphore(%run_scoped3A : memref<!tpu.dma_semaphore, #tpu.memory_space<semaphore_mem>>) src(%dma_wait3A_66 : memref<632x128xf32, #tpu.memory_space<vmem_shared>>) dst(%dma_wait3A_64 : memref<632x128xf32, #tpu.memory_space<hbm>>)
      tpu.yield
    }) : () -> ()
    return
  }
}

#map = affine_map<(d0, d1) -> (0, 0)>
#map1 = affine_map<(d0, d1) -> (0, 0, 0)>
module attributes {stable_mosaic.version = 14 : i64} {
  func.func @k(%arg0: i32, %arg1: i32, %arg2: memref<10000x64xf32, #tpu.memory_space<hbm>>, %arg3: memref<32x92x112xi32, #tpu.memory_space<hbm>>, %arg4: memref<32x92x112xi32, #tpu.memory_space<hbm>>, %arg5: memref<632x64xf32, #tpu.memory_space<hbm>>, %arg6: memref<2x10112x64xf32, #tpu.memory_space<hbm>>, %arg7: memref<92x112xi32, #tpu.memory_space<vmem>>, %arg8: memref<92x112xi32, #tpu.memory_space<vmem>>, %arg9: memref<112x64xf32, #tpu.memory_space<vmem>>, %arg10: memref<112x64xf32, #tpu.memory_space<vmem>>, %arg11: memref<112x64xf32, #tpu.memory_space<vmem>>, %arg12: memref<112x64xf32, #tpu.memory_space<vmem>>, %arg13: memref<10112x64xf32, #tpu.memory_space<vmem_shared>>, %arg14: memref<!tpu.dma_semaphore, #tpu.memory_space<semaphore_mem>>, %arg15: memref<!tpu.dma_semaphore, #tpu.memory_space<semaphore_mem>>, %arg16: memref<!tpu.dma_semaphore, #tpu.memory_space<semaphore_mem>>, %arg17: memref<!tpu.dma_semaphore, #tpu.memory_space<semaphore_mem>>) attributes {dimension_semantics = [#tpu.dimension_semantics<core_parallel>, #tpu.dimension_semantics<subcore_parallel>], iteration_bounds = array<i64: 2, 16>, scalar_prefetch = 0 : i64, scratch_operands = 11 : i64, tpu.core_type = #tpu.core_type<sc_vector_subcore>, window_params = [{transform_indices = #map}, {transform_indices = #map1}, {transform_indices = #map1}, {transform_indices = #map}, {transform_indices = #map1}]} {
    %mul3A = arith.constant 16 : i32
    %mul3A_0 = arith.muli %arg0, %mul3A : i32
    %add3A = arith.addi %mul3A_0, %arg1 : i32
    %mul3A_1 = arith.constant 632 : i32
    %mul3A_2 = arith.muli %arg1, %mul3A_1 : i32
    %dma_start3A = arith.constant 0 : i32
    %dma_start3A_3 = tpu.memref_slice %arg13[%mul3A_2, %dma_start3A] : memref<10112x64xf32, #tpu.memory_space<vmem_shared>> -> memref<632x64xf32, #tpu.memory_space<vmem_shared>>
    tpu.enqueue_dma source(%arg5 : memref<632x64xf32, #tpu.memory_space<hbm>>) target(%dma_start3A_3 : memref<632x64xf32, #tpu.memory_space<vmem_shared>>) target_semaphore(%arg14 : memref<!tpu.dma_semaphore, #tpu.memory_space<semaphore_mem>>)
    %dma_start3A_4 = arith.constant 0 : i32
    %dma_start3A_5 = arith.constant 0 : i32
    %dma_start3A_6 = tpu.memref_slice %arg3[%add3A, %dma_start3A_4, %dma_start3A_5] : memref<32x92x112xi32, #tpu.memory_space<hbm>> -> memref<1x92x112xi32, #tpu.memory_space<hbm>>
    %dma_start3A_7 = tpu.memref_squeeze %dma_start3A_6 : memref<1x92x112xi32, #tpu.memory_space<hbm>> -> memref<92x112xi32, #tpu.memory_space<hbm>>
    %dma_start3A_8 = arith.constant 0 : i32
    %dma_start3A_9 = arith.constant 0 : i32
    %dma_start3A_10 = tpu.memref_slice %arg3[%add3A, %dma_start3A_8, %dma_start3A_9] : memref<32x92x112xi32, #tpu.memory_space<hbm>> -> memref<1x92x112xi32, #tpu.memory_space<hbm>>
    %dma_start3A_11 = tpu.memref_squeeze %dma_start3A_10 : memref<1x92x112xi32, #tpu.memory_space<hbm>> -> memref<92x112xi32, #tpu.memory_space<hbm>>
    tpu.enqueue_dma source(%dma_start3A_11 : memref<92x112xi32, #tpu.memory_space<hbm>>) target(%arg7 : memref<92x112xi32, #tpu.memory_space<vmem>>) target_semaphore(%arg14 : memref<!tpu.dma_semaphore, #tpu.memory_space<semaphore_mem>>)
    %dma_start3A_12 = arith.constant 0 : i32
    %dma_start3A_13 = arith.constant 0 : i32
    %dma_start3A_14 = tpu.memref_slice %arg4[%add3A, %dma_start3A_12, %dma_start3A_13] : memref<32x92x112xi32, #tpu.memory_space<hbm>> -> memref<1x92x112xi32, #tpu.memory_space<hbm>>
    %dma_start3A_15 = tpu.memref_squeeze %dma_start3A_14 : memref<1x92x112xi32, #tpu.memory_space<hbm>> -> memref<92x112xi32, #tpu.memory_space<hbm>>
    %dma_start3A_16 = arith.constant 0 : i32
    %dma_start3A_17 = arith.constant 0 : i32
    %dma_start3A_18 = tpu.memref_slice %arg4[%add3A, %dma_start3A_16, %dma_start3A_17] : memref<32x92x112xi32, #tpu.memory_space<hbm>> -> memref<1x92x112xi32, #tpu.memory_space<hbm>>
    %dma_start3A_19 = tpu.memref_squeeze %dma_start3A_18 : memref<1x92x112xi32, #tpu.memory_space<hbm>> -> memref<92x112xi32, #tpu.memory_space<hbm>>
    tpu.enqueue_dma source(%dma_start3A_19 : memref<92x112xi32, #tpu.memory_space<hbm>>) target(%arg8 : memref<92x112xi32, #tpu.memory_space<vmem>>) target_semaphore(%arg15 : memref<!tpu.dma_semaphore, #tpu.memory_space<semaphore_mem>>)
    %dma_wait3A = arith.constant 0 : i32
    %dma_wait3A_20 = tpu.memref_slice %arg13[%mul3A_2, %dma_wait3A] : memref<10112x64xf32, #tpu.memory_space<vmem_shared>> -> memref<632x64xf32, #tpu.memory_space<vmem_shared>>
    tpu.wait_dma2 semaphore(%arg14 : memref<!tpu.dma_semaphore, #tpu.memory_space<semaphore_mem>>) src(%arg5 : memref<632x64xf32, #tpu.memory_space<hbm>>) dst(%dma_wait3A_20 : memref<632x64xf32, #tpu.memory_space<vmem_shared>>)
    %dma_wait3A_21 = arith.constant 0 : i32
    %dma_wait3A_22 = arith.constant 0 : i32
    %dma_wait3A_23 = tpu.memref_slice %arg3[%add3A, %dma_wait3A_21, %dma_wait3A_22] : memref<32x92x112xi32, #tpu.memory_space<hbm>> -> memref<1x92x112xi32, #tpu.memory_space<hbm>>
    %dma_wait3A_24 = tpu.memref_squeeze %dma_wait3A_23 : memref<1x92x112xi32, #tpu.memory_space<hbm>> -> memref<92x112xi32, #tpu.memory_space<hbm>>
    %dma_wait3A_25 = arith.constant 0 : i32
    %dma_wait3A_26 = arith.constant 0 : i32
    %dma_wait3A_27 = tpu.memref_slice %arg3[%add3A, %dma_wait3A_25, %dma_wait3A_26] : memref<32x92x112xi32, #tpu.memory_space<hbm>> -> memref<1x92x112xi32, #tpu.memory_space<hbm>>
    %dma_wait3A_28 = tpu.memref_squeeze %dma_wait3A_27 : memref<1x92x112xi32, #tpu.memory_space<hbm>> -> memref<92x112xi32, #tpu.memory_space<hbm>>
    tpu.wait_dma2 semaphore(%arg14 : memref<!tpu.dma_semaphore, #tpu.memory_space<semaphore_mem>>) src(%dma_wait3A_28 : memref<92x112xi32, #tpu.memory_space<hbm>>) dst(%arg7 : memref<92x112xi32, #tpu.memory_space<vmem>>)
    %dma_wait3A_29 = arith.constant 0 : i32
    %dma_wait3A_30 = arith.constant 0 : i32
    %dma_wait3A_31 = tpu.memref_slice %arg4[%add3A, %dma_wait3A_29, %dma_wait3A_30] : memref<32x92x112xi32, #tpu.memory_space<hbm>> -> memref<1x92x112xi32, #tpu.memory_space<hbm>>
    %dma_wait3A_32 = tpu.memref_squeeze %dma_wait3A_31 : memref<1x92x112xi32, #tpu.memory_space<hbm>> -> memref<92x112xi32, #tpu.memory_space<hbm>>
    %dma_wait3A_33 = arith.constant 0 : i32
    %dma_wait3A_34 = arith.constant 0 : i32
    %dma_wait3A_35 = tpu.memref_slice %arg4[%add3A, %dma_wait3A_33, %dma_wait3A_34] : memref<32x92x112xi32, #tpu.memory_space<hbm>> -> memref<1x92x112xi32, #tpu.memory_space<hbm>>
    %dma_wait3A_36 = tpu.memref_squeeze %dma_wait3A_35 : memref<1x92x112xi32, #tpu.memory_space<hbm>> -> memref<92x112xi32, #tpu.memory_space<hbm>>
    tpu.wait_dma2 semaphore(%arg15 : memref<!tpu.dma_semaphore, #tpu.memory_space<semaphore_mem>>) src(%dma_wait3A_36 : memref<92x112xi32, #tpu.memory_space<hbm>>) dst(%arg8 : memref<92x112xi32, #tpu.memory_space<vmem>>)
    %barrier3A = arith.constant 0 : index
    tpu.barrier barrier_id(%barrier3A)
    %dma_start3A_37 = arith.constant 0 : i32
    %dma_start3A_38 = arith.constant 0 : i32
    %dma_start3A_39 = tpu.memref_slice %arg7[%dma_start3A_37, %dma_start3A_38] : memref<92x112xi32, #tpu.memory_space<vmem>> -> memref<1x112xi32, #tpu.memory_space<vmem>>
    %dma_start3A_40 = tpu.memref_squeeze %dma_start3A_39 : memref<1x112xi32, #tpu.memory_space<vmem>> -> memref<112xi32, #tpu.memory_space<vmem>>
    %dma_start3A_41 = arith.constant 0 : i32
    %dma_start3A_42 = arith.constant 0 : i32
    %dma_start3A_43 = tpu.memref_slice %arg2[%dma_start3A_41, %dma_start3A_42] : memref<10000x64xf32, #tpu.memory_space<hbm>> -> memref<10000x64xf32, #tpu.memory_space<hbm>>
    tpu.enqueue_indirect_dma source(%dma_start3A_43 : memref<10000x64xf32, #tpu.memory_space<hbm>>) target(%arg9 : memref<112x64xf32, #tpu.memory_space<vmem>>) offsets(%dma_start3A_40 : memref<112xi32, #tpu.memory_space<vmem>>) semaphore(%arg14 : memref<!tpu.dma_semaphore, #tpu.memory_space<semaphore_mem>>)
    %dma_start3A_44 = arith.constant 1 : i32
    %dma_start3A_45 = arith.constant 0 : i32
    %dma_start3A_46 = tpu.memref_slice %arg7[%dma_start3A_44, %dma_start3A_45] : memref<92x112xi32, #tpu.memory_space<vmem>> -> memref<1x112xi32, #tpu.memory_space<vmem>>
    %dma_start3A_47 = tpu.memref_squeeze %dma_start3A_46 : memref<1x112xi32, #tpu.memory_space<vmem>> -> memref<112xi32, #tpu.memory_space<vmem>>
    %dma_start3A_48 = arith.constant 0 : i32
    %dma_start3A_49 = arith.constant 0 : i32
    %dma_start3A_50 = tpu.memref_slice %arg2[%dma_start3A_48, %dma_start3A_49] : memref<10000x64xf32, #tpu.memory_space<hbm>> -> memref<10000x64xf32, #tpu.memory_space<hbm>>
    tpu.enqueue_indirect_dma source(%dma_start3A_50 : memref<10000x64xf32, #tpu.memory_space<hbm>>) target(%arg10 : memref<112x64xf32, #tpu.memory_space<vmem>>) offsets(%dma_start3A_47 : memref<112xi32, #tpu.memory_space<vmem>>) semaphore(%arg15 : memref<!tpu.dma_semaphore, #tpu.memory_space<semaphore_mem>>)
    %dma_start3A_51 = arith.constant 2 : i32
    %dma_start3A_52 = arith.constant 0 : i32
    %dma_start3A_53 = tpu.memref_slice %arg7[%dma_start3A_51, %dma_start3A_52] : memref<92x112xi32, #tpu.memory_space<vmem>> -> memref<1x112xi32, #tpu.memory_space<vmem>>
    %dma_start3A_54 = tpu.memref_squeeze %dma_start3A_53 : memref<1x112xi32, #tpu.memory_space<vmem>> -> memref<112xi32, #tpu.memory_space<vmem>>
    %dma_start3A_55 = arith.constant 0 : i32
    %dma_start3A_56 = arith.constant 0 : i32
    %dma_start3A_57 = tpu.memref_slice %arg2[%dma_start3A_55, %dma_start3A_56] : memref<10000x64xf32, #tpu.memory_space<hbm>> -> memref<10000x64xf32, #tpu.memory_space<hbm>>
    tpu.enqueue_indirect_dma source(%dma_start3A_57 : memref<10000x64xf32, #tpu.memory_space<hbm>>) target(%arg11 : memref<112x64xf32, #tpu.memory_space<vmem>>) offsets(%dma_start3A_54 : memref<112xi32, #tpu.memory_space<vmem>>) semaphore(%arg16 : memref<!tpu.dma_semaphore, #tpu.memory_space<semaphore_mem>>)
    %dma_start3A_58 = arith.constant 3 : i32
    %dma_start3A_59 = arith.constant 0 : i32
    %dma_start3A_60 = tpu.memref_slice %arg7[%dma_start3A_58, %dma_start3A_59] : memref<92x112xi32, #tpu.memory_space<vmem>> -> memref<1x112xi32, #tpu.memory_space<vmem>>
    %dma_start3A_61 = tpu.memref_squeeze %dma_start3A_60 : memref<1x112xi32, #tpu.memory_space<vmem>> -> memref<112xi32, #tpu.memory_space<vmem>>
    %dma_start3A_62 = arith.constant 0 : i32
    %dma_start3A_63 = arith.constant 0 : i32
    %dma_start3A_64 = tpu.memref_slice %arg2[%dma_start3A_62, %dma_start3A_63] : memref<10000x64xf32, #tpu.memory_space<hbm>> -> memref<10000x64xf32, #tpu.memory_space<hbm>>
    tpu.enqueue_indirect_dma source(%dma_start3A_64 : memref<10000x64xf32, #tpu.memory_space<hbm>>) target(%arg12 : memref<112x64xf32, #tpu.memory_space<vmem>>) offsets(%dma_start3A_61 : memref<112xi32, #tpu.memory_space<vmem>>) semaphore(%arg17 : memref<!tpu.dma_semaphore, #tpu.memory_space<semaphore_mem>>)
    %scan3A = arith.constant 0 : i32
    %scan3A_65 = arith.constant 0 : i32
    %scan3A_66 = arith.constant 23 : i32
    %scan3A_67 = arith.addi %scan3A_65, %scan3A_66 : i32
    %scan3A_68 = arith.constant 1 : i32
    scf.for %scan3A_71 = %scan3A_65 to %scan3A_67 step %scan3A_68  : i32 {
      %mul3A_72 = arith.constant 4 : i32
      %mul3A_73 = arith.muli %scan3A_71, %mul3A_72 : i32
      %add3A_74 = arith.constant 0 : i32
      %add3A_75 = arith.addi %mul3A_73, %add3A_74 : i32
      %dma_wait3A_76 = arith.constant 0 : i32
      %dma_wait3A_77 = tpu.memref_slice %arg7[%add3A_75, %dma_wait3A_76] : memref<92x112xi32, #tpu.memory_space<vmem>> -> memref<1x112xi32, #tpu.memory_space<vmem>>
      %dma_wait3A_78 = tpu.memref_squeeze %dma_wait3A_77 : memref<1x112xi32, #tpu.memory_space<vmem>> -> memref<112xi32, #tpu.memory_space<vmem>>
      %dma_wait3A_79 = arith.constant 0 : i32
      %dma_wait3A_80 = arith.constant 0 : i32
      %dma_wait3A_81 = tpu.memref_slice %arg2[%dma_wait3A_79, %dma_wait3A_80] : memref<10000x64xf32, #tpu.memory_space<hbm>> -> memref<10000x64xf32, #tpu.memory_space<hbm>>
      tpu.wait_indirect_dma semaphore(%arg14 : memref<!tpu.dma_semaphore, #tpu.memory_space<semaphore_mem>>) src(%dma_wait3A_81 : memref<10000x64xf32, #tpu.memory_space<hbm>>) dst(%arg9 : memref<112x64xf32, #tpu.memory_space<vmem>>)
      %add3A_82 = arith.constant 0 : i32
      %add3A_83 = arith.addi %mul3A_73, %add3A_82 : i32
      "tpu.region"() ({
        %run_scoped3A = tpu.sem_alloc : memref<!tpu.dma_semaphore, #tpu.memory_space<semaphore_mem>>
        %dma_start3A_147 = arith.constant 0 : i32
        %dma_start3A_148 = tpu.memref_slice %arg8[%add3A_83, %dma_start3A_147] : memref<92x112xi32, #tpu.memory_space<vmem>> -> memref<1x112xi32, #tpu.memory_space<vmem>>
        %dma_start3A_149 = tpu.memref_squeeze %dma_start3A_148 : memref<1x112xi32, #tpu.memory_space<vmem>> -> memref<112xi32, #tpu.memory_space<vmem>>
        %dma_start3A_150 = arith.constant 0 : i32
        %dma_start3A_151 = arith.constant 0 : i32
        %dma_start3A_152 = tpu.memref_slice %arg13[%dma_start3A_150, %dma_start3A_151] : memref<10112x64xf32, #tpu.memory_space<vmem_shared>> -> memref<10112x64xf32, #tpu.memory_space<vmem_shared>>
        tpu.enqueue_indirect_dma source(%arg9 : memref<112x64xf32, #tpu.memory_space<vmem>>) target(%dma_start3A_152 : memref<10112x64xf32, #tpu.memory_space<vmem_shared>>) offsets(%dma_start3A_149 : memref<112xi32, #tpu.memory_space<vmem>>) semaphore(%run_scoped3A : memref<!tpu.dma_semaphore, #tpu.memory_space<semaphore_mem>>) {add = true}
        %dma_wait3A_153 = arith.constant 0 : i32
        %dma_wait3A_154 = tpu.memref_slice %arg8[%add3A_83, %dma_wait3A_153] : memref<92x112xi32, #tpu.memory_space<vmem>> -> memref<1x112xi32, #tpu.memory_space<vmem>>
        %dma_wait3A_155 = tpu.memref_squeeze %dma_wait3A_154 : memref<1x112xi32, #tpu.memory_space<vmem>> -> memref<112xi32, #tpu.memory_space<vmem>>
        %dma_wait3A_156 = arith.constant 0 : i32
        %dma_wait3A_157 = arith.constant 0 : i32
        %dma_wait3A_158 = tpu.memref_slice %arg13[%dma_wait3A_156, %dma_wait3A_157] : memref<10112x64xf32, #tpu.memory_space<vmem_shared>> -> memref<10112x64xf32, #tpu.memory_space<vmem_shared>>
        tpu.wait_indirect_dma semaphore(%run_scoped3A : memref<!tpu.dma_semaphore, #tpu.memory_space<semaphore_mem>>) src(%arg9 : memref<112x64xf32, #tpu.memory_space<vmem>>) dst(%dma_wait3A_158 : memref<10112x64xf32, #tpu.memory_space<vmem_shared>>)
        tpu.yield
      }) : () -> ()
      %add3A_84 = arith.constant 0 : i32
      %add3A_85 = arith.addi %mul3A_73, %add3A_84 : i32
      %add3A_86 = arith.constant 4 : i32
      %add3A_87 = arith.addi %add3A_85, %add3A_86 : i32
      %lt3A = arith.constant 92 : i32
      %lt3A_88 = arith.cmpi slt, %add3A_87, %lt3A : i32
      %convert_element_type3A = arith.extui %lt3A_88 : i1 to i32
      %cond3A = arith.constant 0 : i32
      %cond3A_89 = arith.cmpi ne, %convert_element_type3A, %cond3A : i32
      scf.if %cond3A_89 {
        %add3A_147 = arith.constant 0 : i32
        %add3A_148 = arith.addi %mul3A_73, %add3A_147 : i32
        %add3A_149 = arith.constant 4 : i32
        %add3A_150 = arith.addi %add3A_148, %add3A_149 : i32
        %dma_start3A_151 = arith.constant 0 : i32
        %dma_start3A_152 = tpu.memref_slice %arg7[%add3A_150, %dma_start3A_151] : memref<92x112xi32, #tpu.memory_space<vmem>> -> memref<1x112xi32, #tpu.memory_space<vmem>>
        %dma_start3A_153 = tpu.memref_squeeze %dma_start3A_152 : memref<1x112xi32, #tpu.memory_space<vmem>> -> memref<112xi32, #tpu.memory_space<vmem>>
        %dma_start3A_154 = arith.constant 0 : i32
        %dma_start3A_155 = arith.constant 0 : i32
        %dma_start3A_156 = tpu.memref_slice %arg2[%dma_start3A_154, %dma_start3A_155] : memref<10000x64xf32, #tpu.memory_space<hbm>> -> memref<10000x64xf32, #tpu.memory_space<hbm>>
        tpu.enqueue_indirect_dma source(%dma_start3A_156 : memref<10000x64xf32, #tpu.memory_space<hbm>>) target(%arg9 : memref<112x64xf32, #tpu.memory_space<vmem>>) offsets(%dma_start3A_153 : memref<112xi32, #tpu.memory_space<vmem>>) semaphore(%arg14 : memref<!tpu.dma_semaphore, #tpu.memory_space<semaphore_mem>>)
      } else {
      }
      %add3A_90 = arith.constant 1 : i32
      %add3A_91 = arith.addi %mul3A_73, %add3A_90 : i32
      %dma_wait3A_92 = arith.constant 0 : i32
      %dma_wait3A_93 = tpu.memref_slice %arg7[%add3A_91, %dma_wait3A_92] : memref<92x112xi32, #tpu.memory_space<vmem>> -> memref<1x112xi32, #tpu.memory_space<vmem>>
      %dma_wait3A_94 = tpu.memref_squeeze %dma_wait3A_93 : memref<1x112xi32, #tpu.memory_space<vmem>> -> memref<112xi32, #tpu.memory_space<vmem>>
      %dma_wait3A_95 = arith.constant 0 : i32
      %dma_wait3A_96 = arith.constant 0 : i32
      %dma_wait3A_97 = tpu.memref_slice %arg2[%dma_wait3A_95, %dma_wait3A_96] : memref<10000x64xf32, #tpu.memory_space<hbm>> -> memref<10000x64xf32, #tpu.memory_space<hbm>>
      tpu.wait_indirect_dma semaphore(%arg15 : memref<!tpu.dma_semaphore, #tpu.memory_space<semaphore_mem>>) src(%dma_wait3A_97 : memref<10000x64xf32, #tpu.memory_space<hbm>>) dst(%arg10 : memref<112x64xf32, #tpu.memory_space<vmem>>)
      %add3A_98 = arith.constant 1 : i32
      %add3A_99 = arith.addi %mul3A_73, %add3A_98 : i32
      "tpu.region"() ({
        %run_scoped3A = tpu.sem_alloc : memref<!tpu.dma_semaphore, #tpu.memory_space<semaphore_mem>>
        %dma_start3A_147 = arith.constant 0 : i32
        %dma_start3A_148 = tpu.memref_slice %arg8[%add3A_99, %dma_start3A_147] : memref<92x112xi32, #tpu.memory_space<vmem>> -> memref<1x112xi32, #tpu.memory_space<vmem>>
        %dma_start3A_149 = tpu.memref_squeeze %dma_start3A_148 : memref<1x112xi32, #tpu.memory_space<vmem>> -> memref<112xi32, #tpu.memory_space<vmem>>
        %dma_start3A_150 = arith.constant 0 : i32
        %dma_start3A_151 = arith.constant 0 : i32
        %dma_start3A_152 = tpu.memref_slice %arg13[%dma_start3A_150, %dma_start3A_151] : memref<10112x64xf32, #tpu.memory_space<vmem_shared>> -> memref<10112x64xf32, #tpu.memory_space<vmem_shared>>
        tpu.enqueue_indirect_dma source(%arg10 : memref<112x64xf32, #tpu.memory_space<vmem>>) target(%dma_start3A_152 : memref<10112x64xf32, #tpu.memory_space<vmem_shared>>) offsets(%dma_start3A_149 : memref<112xi32, #tpu.memory_space<vmem>>) semaphore(%run_scoped3A : memref<!tpu.dma_semaphore, #tpu.memory_space<semaphore_mem>>) {add = true}
        %dma_wait3A_153 = arith.constant 0 : i32
        %dma_wait3A_154 = tpu.memref_slice %arg8[%add3A_99, %dma_wait3A_153] : memref<92x112xi32, #tpu.memory_space<vmem>> -> memref<1x112xi32, #tpu.memory_space<vmem>>
        %dma_wait3A_155 = tpu.memref_squeeze %dma_wait3A_154 : memref<1x112xi32, #tpu.memory_space<vmem>> -> memref<112xi32, #tpu.memory_space<vmem>>
        %dma_wait3A_156 = arith.constant 0 : i32
        %dma_wait3A_157 = arith.constant 0 : i32
        %dma_wait3A_158 = tpu.memref_slice %arg13[%dma_wait3A_156, %dma_wait3A_157] : memref<10112x64xf32, #tpu.memory_space<vmem_shared>> -> memref<10112x64xf32, #tpu.memory_space<vmem_shared>>
        tpu.wait_indirect_dma semaphore(%run_scoped3A : memref<!tpu.dma_semaphore, #tpu.memory_space<semaphore_mem>>) src(%arg10 : memref<112x64xf32, #tpu.memory_space<vmem>>) dst(%dma_wait3A_158 : memref<10112x64xf32, #tpu.memory_space<vmem_shared>>)
        tpu.yield
      }) : () -> ()
      %add3A_100 = arith.constant 1 : i32
      %add3A_101 = arith.addi %mul3A_73, %add3A_100 : i32
      %add3A_102 = arith.constant 4 : i32
      %add3A_103 = arith.addi %add3A_101, %add3A_102 : i32
      %lt3A_104 = arith.constant 92 : i32
      %lt3A_105 = arith.cmpi slt, %add3A_103, %lt3A_104 : i32
      %convert_element_type3A_106 = arith.extui %lt3A_105 : i1 to i32
      %cond3A_107 = arith.constant 0 : i32
      %cond3A_108 = arith.cmpi ne, %convert_element_type3A_106, %cond3A_107 : i32
      scf.if %cond3A_108 {
        %add3A_147 = arith.constant 1 : i32
        %add3A_148 = arith.addi %mul3A_73, %add3A_147 : i32
        %add3A_149 = arith.constant 4 : i32
        %add3A_150 = arith.addi %add3A_148, %add3A_149 : i32
        %dma_start3A_151 = arith.constant 0 : i32
        %dma_start3A_152 = tpu.memref_slice %arg7[%add3A_150, %dma_start3A_151] : memref<92x112xi32, #tpu.memory_space<vmem>> -> memref<1x112xi32, #tpu.memory_space<vmem>>
        %dma_start3A_153 = tpu.memref_squeeze %dma_start3A_152 : memref<1x112xi32, #tpu.memory_space<vmem>> -> memref<112xi32, #tpu.memory_space<vmem>>
        %dma_start3A_154 = arith.constant 0 : i32
        %dma_start3A_155 = arith.constant 0 : i32
        %dma_start3A_156 = tpu.memref_slice %arg2[%dma_start3A_154, %dma_start3A_155] : memref<10000x64xf32, #tpu.memory_space<hbm>> -> memref<10000x64xf32, #tpu.memory_space<hbm>>
        tpu.enqueue_indirect_dma source(%dma_start3A_156 : memref<10000x64xf32, #tpu.memory_space<hbm>>) target(%arg10 : memref<112x64xf32, #tpu.memory_space<vmem>>) offsets(%dma_start3A_153 : memref<112xi32, #tpu.memory_space<vmem>>) semaphore(%arg15 : memref<!tpu.dma_semaphore, #tpu.memory_space<semaphore_mem>>)
      } else {
      }
      %add3A_109 = arith.constant 2 : i32
      %add3A_110 = arith.addi %mul3A_73, %add3A_109 : i32
      %dma_wait3A_111 = arith.constant 0 : i32
      %dma_wait3A_112 = tpu.memref_slice %arg7[%add3A_110, %dma_wait3A_111] : memref<92x112xi32, #tpu.memory_space<vmem>> -> memref<1x112xi32, #tpu.memory_space<vmem>>
      %dma_wait3A_113 = tpu.memref_squeeze %dma_wait3A_112 : memref<1x112xi32, #tpu.memory_space<vmem>> -> memref<112xi32, #tpu.memory_space<vmem>>
      %dma_wait3A_114 = arith.constant 0 : i32
      %dma_wait3A_115 = arith.constant 0 : i32
      %dma_wait3A_116 = tpu.memref_slice %arg2[%dma_wait3A_114, %dma_wait3A_115] : memref<10000x64xf32, #tpu.memory_space<hbm>> -> memref<10000x64xf32, #tpu.memory_space<hbm>>
      tpu.wait_indirect_dma semaphore(%arg16 : memref<!tpu.dma_semaphore, #tpu.memory_space<semaphore_mem>>) src(%dma_wait3A_116 : memref<10000x64xf32, #tpu.memory_space<hbm>>) dst(%arg11 : memref<112x64xf32, #tpu.memory_space<vmem>>)
      %add3A_117 = arith.constant 2 : i32
      %add3A_118 = arith.addi %mul3A_73, %add3A_117 : i32
      "tpu.region"() ({
        %run_scoped3A = tpu.sem_alloc : memref<!tpu.dma_semaphore, #tpu.memory_space<semaphore_mem>>
        %dma_start3A_147 = arith.constant 0 : i32
        %dma_start3A_148 = tpu.memref_slice %arg8[%add3A_118, %dma_start3A_147] : memref<92x112xi32, #tpu.memory_space<vmem>> -> memref<1x112xi32, #tpu.memory_space<vmem>>
        %dma_start3A_149 = tpu.memref_squeeze %dma_start3A_148 : memref<1x112xi32, #tpu.memory_space<vmem>> -> memref<112xi32, #tpu.memory_space<vmem>>
        %dma_start3A_150 = arith.constant 0 : i32
        %dma_start3A_151 = arith.constant 0 : i32
        %dma_start3A_152 = tpu.memref_slice %arg13[%dma_start3A_150, %dma_start3A_151] : memref<10112x64xf32, #tpu.memory_space<vmem_shared>> -> memref<10112x64xf32, #tpu.memory_space<vmem_shared>>
        tpu.enqueue_indirect_dma source(%arg11 : memref<112x64xf32, #tpu.memory_space<vmem>>) target(%dma_start3A_152 : memref<10112x64xf32, #tpu.memory_space<vmem_shared>>) offsets(%dma_start3A_149 : memref<112xi32, #tpu.memory_space<vmem>>) semaphore(%run_scoped3A : memref<!tpu.dma_semaphore, #tpu.memory_space<semaphore_mem>>) {add = true}
        %dma_wait3A_153 = arith.constant 0 : i32
        %dma_wait3A_154 = tpu.memref_slice %arg8[%add3A_118, %dma_wait3A_153] : memref<92x112xi32, #tpu.memory_space<vmem>> -> memref<1x112xi32, #tpu.memory_space<vmem>>
        %dma_wait3A_155 = tpu.memref_squeeze %dma_wait3A_154 : memref<1x112xi32, #tpu.memory_space<vmem>> -> memref<112xi32, #tpu.memory_space<vmem>>
        %dma_wait3A_156 = arith.constant 0 : i32
        %dma_wait3A_157 = arith.constant 0 : i32
        %dma_wait3A_158 = tpu.memref_slice %arg13[%dma_wait3A_156, %dma_wait3A_157] : memref<10112x64xf32, #tpu.memory_space<vmem_shared>> -> memref<10112x64xf32, #tpu.memory_space<vmem_shared>>
        tpu.wait_indirect_dma semaphore(%run_scoped3A : memref<!tpu.dma_semaphore, #tpu.memory_space<semaphore_mem>>) src(%arg11 : memref<112x64xf32, #tpu.memory_space<vmem>>) dst(%dma_wait3A_158 : memref<10112x64xf32, #tpu.memory_space<vmem_shared>>)
        tpu.yield
      }) : () -> ()
      %add3A_119 = arith.constant 2 : i32
      %add3A_120 = arith.addi %mul3A_73, %add3A_119 : i32
      %add3A_121 = arith.constant 4 : i32
      %add3A_122 = arith.addi %add3A_120, %add3A_121 : i32
      %lt3A_123 = arith.constant 92 : i32
      %lt3A_124 = arith.cmpi slt, %add3A_122, %lt3A_123 : i32
      %convert_element_type3A_125 = arith.extui %lt3A_124 : i1 to i32
      %cond3A_126 = arith.constant 0 : i32
      %cond3A_127 = arith.cmpi ne, %convert_element_type3A_125, %cond3A_126 : i32
      scf.if %cond3A_127 {
        %add3A_147 = arith.constant 2 : i32
        %add3A_148 = arith.addi %mul3A_73, %add3A_147 : i32
        %add3A_149 = arith.constant 4 : i32
        %add3A_150 = arith.addi %add3A_148, %add3A_149 : i32
        %dma_start3A_151 = arith.constant 0 : i32
        %dma_start3A_152 = tpu.memref_slice %arg7[%add3A_150, %dma_start3A_151] : memref<92x112xi32, #tpu.memory_space<vmem>> -> memref<1x112xi32, #tpu.memory_space<vmem>>
        %dma_start3A_153 = tpu.memref_squeeze %dma_start3A_152 : memref<1x112xi32, #tpu.memory_space<vmem>> -> memref<112xi32, #tpu.memory_space<vmem>>
        %dma_start3A_154 = arith.constant 0 : i32
        %dma_start3A_155 = arith.constant 0 : i32
        %dma_start3A_156 = tpu.memref_slice %arg2[%dma_start3A_154, %dma_start3A_155] : memref<10000x64xf32, #tpu.memory_space<hbm>> -> memref<10000x64xf32, #tpu.memory_space<hbm>>
        tpu.enqueue_indirect_dma source(%dma_start3A_156 : memref<10000x64xf32, #tpu.memory_space<hbm>>) target(%arg11 : memref<112x64xf32, #tpu.memory_space<vmem>>) offsets(%dma_start3A_153 : memref<112xi32, #tpu.memory_space<vmem>>) semaphore(%arg16 : memref<!tpu.dma_semaphore, #tpu.memory_space<semaphore_mem>>)
      } else {
      }
      %add3A_128 = arith.constant 3 : i32
      %add3A_129 = arith.addi %mul3A_73, %add3A_128 : i32
      %dma_wait3A_130 = arith.constant 0 : i32
      %dma_wait3A_131 = tpu.memref_slice %arg7[%add3A_129, %dma_wait3A_130] : memref<92x112xi32, #tpu.memory_space<vmem>> -> memref<1x112xi32, #tpu.memory_space<vmem>>
      %dma_wait3A_132 = tpu.memref_squeeze %dma_wait3A_131 : memref<1x112xi32, #tpu.memory_space<vmem>> -> memref<112xi32, #tpu.memory_space<vmem>>
      %dma_wait3A_133 = arith.constant 0 : i32
      %dma_wait3A_134 = arith.constant 0 : i32
      %dma_wait3A_135 = tpu.memref_slice %arg2[%dma_wait3A_133, %dma_wait3A_134] : memref<10000x64xf32, #tpu.memory_space<hbm>> -> memref<10000x64xf32, #tpu.memory_space<hbm>>
      tpu.wait_indirect_dma semaphore(%arg17 : memref<!tpu.dma_semaphore, #tpu.memory_space<semaphore_mem>>) src(%dma_wait3A_135 : memref<10000x64xf32, #tpu.memory_space<hbm>>) dst(%arg12 : memref<112x64xf32, #tpu.memory_space<vmem>>)
      %add3A_136 = arith.constant 3 : i32
      %add3A_137 = arith.addi %mul3A_73, %add3A_136 : i32
      "tpu.region"() ({
        %run_scoped3A = tpu.sem_alloc : memref<!tpu.dma_semaphore, #tpu.memory_space<semaphore_mem>>
        %dma_start3A_147 = arith.constant 0 : i32
        %dma_start3A_148 = tpu.memref_slice %arg8[%add3A_137, %dma_start3A_147] : memref<92x112xi32, #tpu.memory_space<vmem>> -> memref<1x112xi32, #tpu.memory_space<vmem>>
        %dma_start3A_149 = tpu.memref_squeeze %dma_start3A_148 : memref<1x112xi32, #tpu.memory_space<vmem>> -> memref<112xi32, #tpu.memory_space<vmem>>
        %dma_start3A_150 = arith.constant 0 : i32
        %dma_start3A_151 = arith.constant 0 : i32
        %dma_start3A_152 = tpu.memref_slice %arg13[%dma_start3A_150, %dma_start3A_151] : memref<10112x64xf32, #tpu.memory_space<vmem_shared>> -> memref<10112x64xf32, #tpu.memory_space<vmem_shared>>
        tpu.enqueue_indirect_dma source(%arg12 : memref<112x64xf32, #tpu.memory_space<vmem>>) target(%dma_start3A_152 : memref<10112x64xf32, #tpu.memory_space<vmem_shared>>) offsets(%dma_start3A_149 : memref<112xi32, #tpu.memory_space<vmem>>) semaphore(%run_scoped3A : memref<!tpu.dma_semaphore, #tpu.memory_space<semaphore_mem>>) {add = true}
        %dma_wait3A_153 = arith.constant 0 : i32
        %dma_wait3A_154 = tpu.memref_slice %arg8[%add3A_137, %dma_wait3A_153] : memref<92x112xi32, #tpu.memory_space<vmem>> -> memref<1x112xi32, #tpu.memory_space<vmem>>
        %dma_wait3A_155 = tpu.memref_squeeze %dma_wait3A_154 : memref<1x112xi32, #tpu.memory_space<vmem>> -> memref<112xi32, #tpu.memory_space<vmem>>
        %dma_wait3A_156 = arith.constant 0 : i32
        %dma_wait3A_157 = arith.constant 0 : i32
        %dma_wait3A_158 = tpu.memref_slice %arg13[%dma_wait3A_156, %dma_wait3A_157] : memref<10112x64xf32, #tpu.memory_space<vmem_shared>> -> memref<10112x64xf32, #tpu.memory_space<vmem_shared>>
        tpu.wait_indirect_dma semaphore(%run_scoped3A : memref<!tpu.dma_semaphore, #tpu.memory_space<semaphore_mem>>) src(%arg12 : memref<112x64xf32, #tpu.memory_space<vmem>>) dst(%dma_wait3A_158 : memref<10112x64xf32, #tpu.memory_space<vmem_shared>>)
        tpu.yield
      }) : () -> ()
      %add3A_138 = arith.constant 3 : i32
      %add3A_139 = arith.addi %mul3A_73, %add3A_138 : i32
      %add3A_140 = arith.constant 4 : i32
      %add3A_141 = arith.addi %add3A_139, %add3A_140 : i32
      %lt3A_142 = arith.constant 92 : i32
      %lt3A_143 = arith.cmpi slt, %add3A_141, %lt3A_142 : i32
      %convert_element_type3A_144 = arith.extui %lt3A_143 : i1 to i32
      %cond3A_145 = arith.constant 0 : i32
      %cond3A_146 = arith.cmpi ne, %convert_element_type3A_144, %cond3A_145 : i32
      scf.if %cond3A_146 {
        %add3A_147 = arith.constant 3 : i32
        %add3A_148 = arith.addi %mul3A_73, %add3A_147 : i32
        %add3A_149 = arith.constant 4 : i32
        %add3A_150 = arith.addi %add3A_148, %add3A_149 : i32
        %dma_start3A_151 = arith.constant 0 : i32
        %dma_start3A_152 = tpu.memref_slice %arg7[%add3A_150, %dma_start3A_151] : memref<92x112xi32, #tpu.memory_space<vmem>> -> memref<1x112xi32, #tpu.memory_space<vmem>>
        %dma_start3A_153 = tpu.memref_squeeze %dma_start3A_152 : memref<1x112xi32, #tpu.memory_space<vmem>> -> memref<112xi32, #tpu.memory_space<vmem>>
        %dma_start3A_154 = arith.constant 0 : i32
        %dma_start3A_155 = arith.constant 0 : i32
        %dma_start3A_156 = tpu.memref_slice %arg2[%dma_start3A_154, %dma_start3A_155] : memref<10000x64xf32, #tpu.memory_space<hbm>> -> memref<10000x64xf32, #tpu.memory_space<hbm>>
        tpu.enqueue_indirect_dma source(%dma_start3A_156 : memref<10000x64xf32, #tpu.memory_space<hbm>>) target(%arg12 : memref<112x64xf32, #tpu.memory_space<vmem>>) offsets(%dma_start3A_153 : memref<112xi32, #tpu.memory_space<vmem>>) semaphore(%arg17 : memref<!tpu.dma_semaphore, #tpu.memory_space<semaphore_mem>>)
      } else {
      }
    }
    %scan3A_69 = arith.constant 23 : i32
    %barrier3A_70 = arith.constant 0 : index
    tpu.barrier barrier_id(%barrier3A_70)
    "tpu.region"() ({
      %run_scoped3A = tpu.sem_alloc : memref<!tpu.dma_semaphore, #tpu.memory_space<semaphore_mem>>
      %dma_start3A_71 = arith.constant 0 : i32
      %dma_start3A_72 = tpu.memref_slice %arg6[%arg0, %mul3A_2, %dma_start3A_71] : memref<2x10112x64xf32, #tpu.memory_space<hbm>> -> memref<1x632x64xf32, #tpu.memory_space<hbm>>
      %dma_start3A_73 = tpu.memref_squeeze %dma_start3A_72 : memref<1x632x64xf32, #tpu.memory_space<hbm>> -> memref<632x64xf32, #tpu.memory_space<hbm>>
      %dma_start3A_74 = arith.constant 0 : i32
      %dma_start3A_75 = tpu.memref_slice %arg13[%mul3A_2, %dma_start3A_74] : memref<10112x64xf32, #tpu.memory_space<vmem_shared>> -> memref<632x64xf32, #tpu.memory_space<vmem_shared>>
      tpu.enqueue_dma source(%dma_start3A_75 : memref<632x64xf32, #tpu.memory_space<vmem_shared>>) target(%dma_start3A_73 : memref<632x64xf32, #tpu.memory_space<hbm>>) target_semaphore(%run_scoped3A : memref<!tpu.dma_semaphore, #tpu.memory_space<semaphore_mem>>)
      %dma_wait3A_76 = arith.constant 0 : i32
      %dma_wait3A_77 = tpu.memref_slice %arg6[%arg0, %mul3A_2, %dma_wait3A_76] : memref<2x10112x64xf32, #tpu.memory_space<hbm>> -> memref<1x632x64xf32, #tpu.memory_space<hbm>>
      %dma_wait3A_78 = tpu.memref_squeeze %dma_wait3A_77 : memref<1x632x64xf32, #tpu.memory_space<hbm>> -> memref<632x64xf32, #tpu.memory_space<hbm>>
      %dma_wait3A_79 = arith.constant 0 : i32
      %dma_wait3A_80 = tpu.memref_slice %arg13[%mul3A_2, %dma_wait3A_79] : memref<10112x64xf32, #tpu.memory_space<vmem_shared>> -> memref<632x64xf32, #tpu.memory_space<vmem_shared>>
      tpu.wait_dma2 semaphore(%run_scoped3A : memref<!tpu.dma_semaphore, #tpu.memory_space<semaphore_mem>>) src(%dma_wait3A_80 : memref<632x64xf32, #tpu.memory_space<vmem_shared>>) dst(%dma_wait3A_78 : memref<632x64xf32, #tpu.memory_space<hbm>>)
      tpu.yield
    }) : () -> ()
    return
  }
}

module attributes {stable_mosaic.version = 14 : i64} {
  func.func @_tc_a_body(%arg0: i32, %arg1: memref<2000x128xf32, #tpu.memory_space<vmem>>, %arg2: memref<128x128xf32, #tpu.memory_space<vmem>>, %arg3: memref<2x2000x16xf32, #tpu.memory_space<vmem>>, %arg4: memref<2000x128xf32, #tpu.memory_space<vmem>>) attributes {dimension_semantics = [#tpu.dimension_semantics<arbitrary>], iteration_bounds = array<i64: 5>, scalar_prefetch = 0 : i64, scratch_operands = 0 : i64, tpu.core_type = #tpu.core_type<tc>, window_params = [{transform_indices = @transform_0, window_bounds = array<i64: 2000, 128>}, {pipeline_mode = #tpu.pipeline_mode<synchronous>, transform_indices = @transform_1, window_bounds = array<i64: 128, 128>}, {transform_indices = @transform_2, window_bounds = array<i64: 2, 2000, 16>}, {transform_indices = @transform_3, window_bounds = array<i64: 2000, 128>}]} {
    %get3A = arith.constant 0 : index
    %get3A_0 = arith.constant 0 : index
    %get3A_1 = vector.load %arg1[%get3A, %get3A_0] : memref<2000x128xf32, #tpu.memory_space<vmem>>, vector<2000x128xf32>
    %get3A_2 = arith.constant 0 : index
    %get3A_3 = arith.constant 0 : index
    %get3A_4 = arith.constant 0 : index
    %get3A_5 = vector.load %arg3[%get3A_2, %get3A_3, %get3A_4] : memref<2x2000x16xf32, #tpu.memory_space<vmem>>, vector<1x2000x1xf32>
    %get3A_6 = vector.shape_cast %get3A_5 : vector<1x2000x1xf32> to vector<2000x1xf32>
    %get3A_7 = arith.constant 1 : index
    %get3A_8 = arith.constant 0 : index
    %get3A_9 = arith.constant 0 : index
    %get3A_10 = vector.load %arg3[%get3A_7, %get3A_8, %get3A_9] : memref<2x2000x16xf32, #tpu.memory_space<vmem>>, vector<1x2000x1xf32>
    %get3A_11 = vector.shape_cast %get3A_10 : vector<1x2000x1xf32> to vector<2000x1xf32>
    %add3A = arith.addf %get3A_6, %get3A_11 : vector<2000x1xf32>
    %max3A = arith.constant 1.000000e+00 : f32
    %max3A_12 = vector.broadcast %max3A : f32 to vector<2000x1xf32>
    %max3A_13 = arith.maximumf %add3A, %max3A_12 : vector<2000x1xf32>
    %rsqrt3A = math.rsqrt %max3A_13 : vector<2000x1xf32>
    %mul3A = vector.broadcast %rsqrt3A : vector<2000x1xf32> to vector<2000x128xf32>
    %mul3A_14 = arith.mulf %get3A_1, %mul3A : vector<2000x128xf32>
    %get3A_15 = arith.constant 0 : index
    %get3A_16 = arith.constant 0 : index
    %get3A_17 = vector.load %arg2[%get3A_15, %get3A_16] : memref<128x128xf32, #tpu.memory_space<vmem>>, vector<128x128xf32>
    %dot_general3A = arith.constant dense<0.000000e+00> : vector<2000x128xf32>
    %dot_general3A_18 = tpu.matmul %mul3A_14, %get3A_17, %dot_general3A {dimension_numbers = #tpu.dot_dimension_numbers<[1], [0], [0], [1], [0, 0, 1, 1], [], []>, transpose_lhs_hint = false} : vector<2000x128xf32>, vector<128x128xf32>, vector<2000x128xf32> -> vector<2000x128xf32>
    %swap3A = arith.constant 0 : index
    %swap3A_19 = arith.constant 0 : index
    %swap3A_20 = vector.load %arg4[%swap3A, %swap3A_19] : memref<2000x128xf32, #tpu.memory_space<vmem>>, vector<2000x128xf32>
    tpu.vector_store %arg4[%swap3A, %swap3A_19], %dot_general3A_18 {strides = array<i32>} : memref<2000x128xf32, #tpu.memory_space<vmem>>, vector<2000x128xf32>,
    return
  }
  func.func @transform_0(%arg0: i32) -> (i32, i32) {
    %c0_i32 = arith.constant 0 : i32
    %c0_i32_0 = arith.constant 0 : i32
    return %arg0, %c0_i32 : i32, i32
  }
  func.func @transform_1(%arg0: i32) -> (i32, i32) {
    %c0_i32 = arith.constant 0 : i32
    %c0_i32_0 = arith.constant 0 : i32
    %c0_i32_1 = arith.constant 0 : i32
    return %c0_i32, %c0_i32_0 : i32, i32
  }
  func.func @transform_2(%arg0: i32) -> (i32, i32, i32) {
    %c0_i32 = arith.constant 0 : i32
    %c0_i32_0 = arith.constant 0 : i32
    %c0_i32_1 = arith.constant 0 : i32
    return %c0_i32, %arg0, %c0_i32_0 : i32, i32, i32
  }
  func.func @transform_3(%arg0: i32) -> (i32, i32) {
    %c0_i32 = arith.constant 0 : i32
    %c0_i32_0 = arith.constant 0 : i32
    return %arg0, %c0_i32 : i32, i32
  }
}

module attributes {stable_mosaic.version = 14 : i64} {
  func.func @_tc_b_body(%arg0: i32, %arg1: memref<2x2000x128xf32, #tpu.memory_space<vmem>>, %arg2: memref<2x2000x16xf32, #tpu.memory_space<vmem>>, %arg3: memref<2x2000x16xf32, #tpu.memory_space<vmem>>, %arg4: memref<1x128xf32, #tpu.memory_space<vmem>>, %arg5: memref<128x64xf32, #tpu.memory_space<vmem>>, %arg6: memref<2000x64xf32, #tpu.memory_space<vmem>>) attributes {dimension_semantics = [#tpu.dimension_semantics<arbitrary>], iteration_bounds = array<i64: 5>, scalar_prefetch = 0 : i64, scratch_operands = 0 : i64, tpu.core_type = #tpu.core_type<tc>, window_params = [{transform_indices = @transform_0, window_bounds = array<i64: 2, 2000, 128>}, {transform_indices = @transform_1, window_bounds = array<i64: 2, 2000, 16>}, {transform_indices = @transform_2, window_bounds = array<i64: 2, 2000, 16>}, {pipeline_mode = #tpu.pipeline_mode<synchronous>, transform_indices = @transform_3, window_bounds = array<i64: 1, 128>}, {pipeline_mode = #tpu.pipeline_mode<synchronous>, transform_indices = @transform_4, window_bounds = array<i64: 128, 64>}, {transform_indices = @transform_5, window_bounds = array<i64: 2000, 64>}]} {
    %get3A = arith.constant 0 : index
    %get3A_0 = arith.constant 0 : index
    %get3A_1 = arith.constant 0 : index
    %get3A_2 = vector.load %arg3[%get3A, %get3A_0, %get3A_1] : memref<2x2000x16xf32, #tpu.memory_space<vmem>>, vector<1x2000x1xf32>
    %get3A_3 = vector.shape_cast %get3A_2 : vector<1x2000x1xf32> to vector<2000x1xf32>
    %get3A_4 = arith.constant 1 : index
    %get3A_5 = arith.constant 0 : index
    %get3A_6 = arith.constant 0 : index
    %get3A_7 = vector.load %arg3[%get3A_4, %get3A_5, %get3A_6] : memref<2x2000x16xf32, #tpu.memory_space<vmem>>, vector<1x2000x1xf32>
    %get3A_8 = vector.shape_cast %get3A_7 : vector<1x2000x1xf32> to vector<2000x1xf32>
    %add3A = arith.addf %get3A_3, %get3A_8 : vector<2000x1xf32>
    %max3A = arith.constant 1.000000e+00 : f32
    %max3A_9 = vector.broadcast %max3A : f32 to vector<2000x1xf32>
    %max3A_10 = arith.maximumf %add3A, %max3A_9 : vector<2000x1xf32>
    %rsqrt3A = math.rsqrt %max3A_10 : vector<2000x1xf32>
    %get3A_11 = arith.constant 0 : index
    %get3A_12 = arith.constant 0 : index
    %get3A_13 = arith.constant 0 : index
    %get3A_14 = vector.load %arg1[%get3A_11, %get3A_12, %get3A_13] : memref<2x2000x128xf32, #tpu.memory_space<vmem>>, vector<1x2000x128xf32>
    %get3A_15 = vector.shape_cast %get3A_14 : vector<1x2000x128xf32> to vector<2000x128xf32>
    %get3A_16 = arith.constant 1 : index
    %get3A_17 = arith.constant 0 : index
    %get3A_18 = arith.constant 0 : index
    %get3A_19 = vector.load %arg1[%get3A_16, %get3A_17, %get3A_18] : memref<2x2000x128xf32, #tpu.memory_space<vmem>>, vector<1x2000x128xf32>
    %get3A_20 = vector.shape_cast %get3A_19 : vector<1x2000x128xf32> to vector<2000x128xf32>
    %add3A_21 = arith.addf %get3A_15, %get3A_20 : vector<2000x128xf32>
    %mul3A = vector.broadcast %rsqrt3A : vector<2000x1xf32> to vector<2000x128xf32>
    %mul3A_22 = arith.mulf %add3A_21, %mul3A : vector<2000x128xf32>
    %get3A_23 = arith.constant 0 : index
    %get3A_24 = arith.constant 0 : index
    %get3A_25 = vector.load %arg4[%get3A_23, %get3A_24] : memref<1x128xf32, #tpu.memory_space<vmem>>, vector<1x128xf32>
    %add3A_26 = vector.broadcast %get3A_25 : vector<1x128xf32> to vector<2000x128xf32>
    %add3A_27 = arith.addf %mul3A_22, %add3A_26 : vector<2000x128xf32>
    %max3A_28 = arith.constant 0.000000e+00 : f32
    %max3A_29 = vector.broadcast %max3A_28 : f32 to vector<2000x128xf32>
    %max3A_30 = arith.maximumf %add3A_27, %max3A_29 : vector<2000x128xf32>
    %get3A_31 = arith.constant 0 : index
    %get3A_32 = arith.constant 0 : index
    %get3A_33 = vector.load %arg5[%get3A_31, %get3A_32] : memref<128x64xf32, #tpu.memory_space<vmem>>, vector<128x64xf32>
    %dot_general3A = arith.constant dense<0.000000e+00> : vector<2000x64xf32>
    %dot_general3A_34 = tpu.matmul %max3A_30, %get3A_33, %dot_general3A {dimension_numbers = #tpu.dot_dimension_numbers<[1], [0], [0], [1], [0, 0, 1, 1], [], []>, transpose_lhs_hint = false} : vector<2000x128xf32>, vector<128x64xf32>, vector<2000x64xf32> -> vector<2000x64xf32>
    %get3A_35 = arith.constant 0 : index
    %get3A_36 = arith.constant 0 : index
    %get3A_37 = arith.constant 0 : index
    %get3A_38 = vector.load %arg2[%get3A_35, %get3A_36, %get3A_37] : memref<2x2000x16xf32, #tpu.memory_space<vmem>>, vector<1x2000x1xf32>
    %get3A_39 = vector.shape_cast %get3A_38 : vector<1x2000x1xf32> to vector<2000x1xf32>
    %get3A_40 = arith.constant 1 : index
    %get3A_41 = arith.constant 0 : index
    %get3A_42 = arith.constant 0 : index
    %get3A_43 = vector.load %arg2[%get3A_40, %get3A_41, %get3A_42] : memref<2x2000x16xf32, #tpu.memory_space<vmem>>, vector<1x2000x1xf32>
    %get3A_44 = vector.shape_cast %get3A_43 : vector<1x2000x1xf32> to vector<2000x1xf32>
    %add3A_45 = arith.addf %get3A_39, %get3A_44 : vector<2000x1xf32>
    %max3A_46 = arith.constant 1.000000e+00 : f32
    %max3A_47 = vector.broadcast %max3A_46 : f32 to vector<2000x1xf32>
    %max3A_48 = arith.maximumf %add3A_45, %max3A_47 : vector<2000x1xf32>
    %rsqrt3A_49 = math.rsqrt %max3A_48 : vector<2000x1xf32>
    %mul3A_50 = vector.broadcast %rsqrt3A_49 : vector<2000x1xf32> to vector<2000x64xf32>
    %mul3A_51 = arith.mulf %dot_general3A_34, %mul3A_50 : vector<2000x64xf32>
    %swap3A = arith.constant 0 : index
    %swap3A_52 = arith.constant 0 : index
    %swap3A_53 = vector.load %arg6[%swap3A, %swap3A_52] : memref<2000x64xf32, #tpu.memory_space<vmem>>, vector<2000x64xf32>
    tpu.vector_store %arg6[%swap3A, %swap3A_52], %mul3A_51 {strides = array<i32>} : memref<2000x64xf32, #tpu.memory_space<vmem>>, vector<2000x64xf32>,
    return
  }
  func.func @transform_0(%arg0: i32) -> (i32, i32, i32) {
    %c0_i32 = arith.constant 0 : i32
    %c0_i32_0 = arith.constant 0 : i32
    %c0_i32_1 = arith.constant 0 : i32
    return %c0_i32, %arg0, %c0_i32_0 : i32, i32, i32
  }
  func.func @transform_1(%arg0: i32) -> (i32, i32, i32) {
    %c0_i32 = arith.constant 0 : i32
    %c0_i32_0 = arith.constant 0 : i32
    %c0_i32_1 = arith.constant 0 : i32
    return %c0_i32, %arg0, %c0_i32_0 : i32, i32, i32
  }
  func.func @transform_2(%arg0: i32) -> (i32, i32, i32) {
    %c0_i32 = arith.constant 0 : i32
    %c0_i32_0 = arith.constant 0 : i32
    %c0_i32_1 = arith.constant 0 : i32
    return %c0_i32, %arg0, %c0_i32_0 : i32, i32, i32
  }
  func.func @transform_3(%arg0: i32) -> (i32, i32) {
    %c0_i32 = arith.constant 0 : i32
    %c0_i32_0 = arith.constant 0 : i32
    %c0_i32_1 = arith.constant 0 : i32
    return %c0_i32, %c0_i32_0 : i32, i32
  }
  func.func @transform_4(%arg0: i32) -> (i32, i32) {
    %c0_i32 = arith.constant 0 : i32
    %c0_i32_0 = arith.constant 0 : i32
    %c0_i32_1 = arith.constant 0 : i32
    return %c0_i32, %c0_i32_0 : i32, i32
  }
  func.func @transform_5(%arg0: i32) -> (i32, i32) {
    %c0_i32 = arith.constant 0 : i32
    %c0_i32_0 = arith.constant 0 : i32
    return %arg0, %c0_i32 : i32, i32
  }
}

module attributes {stable_mosaic.version = 14 : i64} {
  func.func @_tc_c_body(%arg0: i32, %arg1: memref<2x2000x64xf32, #tpu.memory_space<vmem>>, %arg2: memref<2x2000x16xf32, #tpu.memory_space<vmem>>, %arg3: memref<1x64xf32, #tpu.memory_space<vmem>>, %arg4: memref<2000x64xf32, #tpu.memory_space<vmem>>) attributes {dimension_semantics = [#tpu.dimension_semantics<arbitrary>], iteration_bounds = array<i64: 5>, scalar_prefetch = 0 : i64, scratch_operands = 0 : i64, tpu.core_type = #tpu.core_type<tc>, window_params = [{transform_indices = @transform_0, window_bounds = array<i64: 2, 2000, 64>}, {transform_indices = @transform_1, window_bounds = array<i64: 2, 2000, 16>}, {pipeline_mode = #tpu.pipeline_mode<synchronous>, transform_indices = @transform_2, window_bounds = array<i64: 1, 64>}, {transform_indices = @transform_3, window_bounds = array<i64: 2000, 64>}]} {
    %get3A = arith.constant 0 : index
    %get3A_0 = arith.constant 0 : index
    %get3A_1 = arith.constant 0 : index
    %get3A_2 = vector.load %arg1[%get3A, %get3A_0, %get3A_1] : memref<2x2000x64xf32, #tpu.memory_space<vmem>>, vector<1x2000x64xf32>
    %get3A_3 = vector.shape_cast %get3A_2 : vector<1x2000x64xf32> to vector<2000x64xf32>
    %get3A_4 = arith.constant 1 : index
    %get3A_5 = arith.constant 0 : index
    %get3A_6 = arith.constant 0 : index
    %get3A_7 = vector.load %arg1[%get3A_4, %get3A_5, %get3A_6] : memref<2x2000x64xf32, #tpu.memory_space<vmem>>, vector<1x2000x64xf32>
    %get3A_8 = vector.shape_cast %get3A_7 : vector<1x2000x64xf32> to vector<2000x64xf32>
    %add3A = arith.addf %get3A_3, %get3A_8 : vector<2000x64xf32>
    %get3A_9 = arith.constant 0 : index
    %get3A_10 = arith.constant 0 : index
    %get3A_11 = arith.constant 0 : index
    %get3A_12 = vector.load %arg2[%get3A_9, %get3A_10, %get3A_11] : memref<2x2000x16xf32, #tpu.memory_space<vmem>>, vector<1x2000x1xf32>
    %get3A_13 = vector.shape_cast %get3A_12 : vector<1x2000x1xf32> to vector<2000x1xf32>
    %get3A_14 = arith.constant 1 : index
    %get3A_15 = arith.constant 0 : index
    %get3A_16 = arith.constant 0 : index
    %get3A_17 = vector.load %arg2[%get3A_14, %get3A_15, %get3A_16] : memref<2x2000x16xf32, #tpu.memory_space<vmem>>, vector<1x2000x1xf32>
    %get3A_18 = vector.shape_cast %get3A_17 : vector<1x2000x1xf32> to vector<2000x1xf32>
    %add3A_19 = arith.addf %get3A_13, %get3A_18 : vector<2000x1xf32>
    %max3A = arith.constant 1.000000e+00 : f32
    %max3A_20 = vector.broadcast %max3A : f32 to vector<2000x1xf32>
    %max3A_21 = arith.maximumf %add3A_19, %max3A_20 : vector<2000x1xf32>
    %rsqrt3A = math.rsqrt %max3A_21 : vector<2000x1xf32>
    %mul3A = vector.broadcast %rsqrt3A : vector<2000x1xf32> to vector<2000x64xf32>
    %mul3A_22 = arith.mulf %add3A, %mul3A : vector<2000x64xf32>
    %get3A_23 = arith.constant 0 : index
    %get3A_24 = arith.constant 0 : index
    %get3A_25 = vector.load %arg3[%get3A_23, %get3A_24] : memref<1x64xf32, #tpu.memory_space<vmem>>, vector<1x64xf32>
    %add3A_26 = vector.broadcast %get3A_25 : vector<1x64xf32> to vector<2000x64xf32>
    %add3A_27 = arith.addf %mul3A_22, %add3A_26 : vector<2000x64xf32>
    %reduce_max3A = arith.constant dense<0xFF800000> : vector<2000xf32>
    %reduce_max3A_28 = vector.multi_reduction <maximumf>, %add3A_27, %reduce_max3A [1] : vector<2000x64xf32> to vector<2000xf32>
    %broadcast_in_dim3A = vector.shape_cast %reduce_max3A_28 : vector<2000xf32> to vector<2000x1xf32>
    %sub3A = vector.broadcast %broadcast_in_dim3A : vector<2000x1xf32> to vector<2000x64xf32>
    %sub3A_29 = arith.subf %add3A_27, %sub3A : vector<2000x64xf32>
    %exp3A = math.exp %sub3A_29 : vector<2000x64xf32>
    %reduce_sum3A = arith.constant dense<0.000000e+00> : vector<2000xf32>
    %reduce_sum3A_30 = vector.multi_reduction <add>, %exp3A, %reduce_sum3A [1] : vector<2000x64xf32> to vector<2000xf32>
    %broadcast_in_dim3A_31 = vector.shape_cast %reduce_sum3A_30 : vector<2000xf32> to vector<2000x1xf32>
    %log3A = math.log %broadcast_in_dim3A_31 : vector<2000x1xf32>
    %sub3A_32 = vector.broadcast %log3A : vector<2000x1xf32> to vector<2000x64xf32>
    %sub3A_33 = arith.subf %sub3A_29, %sub3A_32 : vector<2000x64xf32>
    %swap3A = arith.constant 0 : index
    %swap3A_34 = arith.constant 0 : index
    %swap3A_35 = vector.load %arg4[%swap3A, %swap3A_34] : memref<2000x64xf32, #tpu.memory_space<vmem>>, vector<2000x64xf32>
    tpu.vector_store %arg4[%swap3A, %swap3A_34], %sub3A_33 {strides = array<i32>} : memref<2000x64xf32, #tpu.memory_space<vmem>>, vector<2000x64xf32>,
    return
  }
  func.func @transform_0(%arg0: i32) -> (i32, i32, i32) {
    %c0_i32 = arith.constant 0 : i32
    %c0_i32_0 = arith.constant 0 : i32
    %c0_i32_1 = arith.constant 0 : i32
    return %c0_i32, %arg0, %c0_i32_0 : i32, i32, i32
  }
  func.func @transform_1(%arg0: i32) -> (i32, i32, i32) {
    %c0_i32 = arith.constant 0 : i32
    %c0_i32_0 = arith.constant 0 : i32
    %c0_i32_1 = arith.constant 0 : i32
    return %c0_i32, %arg0, %c0_i32_0 : i32, i32, i32
  }
  func.func @transform_2(%arg0: i32) -> (i32, i32) {
    %c0_i32 = arith.constant 0 : i32
    %c0_i32_0 = arith.constant 0 : i32
    %c0_i32_1 = arith.constant 0 : i32
    return %c0_i32, %c0_i32_0 : i32, i32
  }
  func.func @transform_3(%arg0: i32) -> (i32, i32) {
    %c0_i32 = arith.constant 0 : i32
    %c0_i32_0 = arith.constant 0 : i32
    return %arg0, %c0_i32 : i32, i32
  }
}

</mosaic_0001>

<sc_bundles>
// kernel: kernel.11.cloned.1.call-start
scs
__scs_entry_jumppad:
0x0: {  	(pc) =	sbr.rel $0x88, $3  }
0x1: {  	(tag) =	ssettag $0x0;
	lr =	simm.s32 $0x1  }
0x2: {  	[smem:$0x3F9B] =	sst lr;
	_ =	strace $0xD0000000  }
0x3: {  	_ = 	snop  }
0x4: {  	_ = 	snop  }
0x5: {  	_ = 	snop  }
0x6: {  	_ = 	snop  }
0x7: {  	_ = 	snop  }
__scs_overlays_trampoline_lowered:
0x8: {  	[smem:$0x3FAA] =	sst s0  }
0x9: {  	[smem:$0x3FAB] =	sst s1  }
0xa: {  	[smem:$0x3FAC] =	sst s2  }
0xb: {  	[smem:$0x3FAD] =	sst s3  }
0xc: {  	[smem:$0x3FAE] =	sst s4  }
0xd: {  	[smem:$0x3FAF] =	sst s5  }
0xe: {  	[smem:$0x3FB0] =	sst s6  }
0xf: {  	[smem:$0x3FB1] =	sst s7  }
0x10: {  	[smem:$0x3FB2] =	sst s8  }
0x11: {  	[smem:$0x3FB3] =	sst s9;
	s0 =	simm.s32 @!p0 $0x0  }
0x12: {  	s1 =	sld [smem:$0x3F99];
	s0 =	simm.s32 @p0 $0x1  }
0x13: {  	[smem:$0x3FB4] =	sst s0;
	s0 =	simm.s32 @!p1 $0x0  }
0x14: {  	s2 =	sld [smem:$0x3F98];
	s0 =	simm.s32 @p1 $0x1  }
0x15: {  	[smem:$0x3FB5] =	sst s0;
	s0 =	simm.s32 @!p2 $0x0  }
0x16: {  	s3 =	sld [smem:$0x3FDB];
	s0 =	simm.s32 @p2 $0x1  }
0x17: {  	s4 =	simm.s32 $0x1BF5;
	[smem:$0x3FB7] =	sst s0  }
0x18: {  	s0 =	sld [smem:$0x3F9A];
	_ =	swait.ge [sflag:s4], $0x0  }
0x19: {  	s7 =	sld [smem:$0x3F9B]  }
0x1a: {  	s8 =	sadd.s32 $0xFFFFE003, lr  }
0x1b: {  	s9 =	sadd.s32 $0xFFFFFEF7, lr;
	s5 =	simm.s32 $0xFFFFFFFF;
	p2 =	slt.u32 s8, $0xFFFFF086  }
0x1c: {  	p1 =	slt.u32 s9, $0xF7A;
	s5 =	simm.s32 @!p2 $0x0  }
0x1d: {  	s5 =	simm.s32 @p1 $0x1;
	p0 =	seq.s32 s7, s2  }
0x1e: {  	s7 =	smul.u32 @!p0 $0xF7A, s2;
	p2 =	seq.s32 @!p0 s5, $0x0  }
0x1f: {  	s9 =	smul.u32 $0xF7A, s1;
	s8 =	simm.s32 @!p0 $0x1BF5;
	p2 =	por !p2, p0  }
0x20: {  	[sflag:s8] =	ssyncset.s32 @!p0 $0xFFFFF086;
	s6 =	sadd.s32 @!p0 s3, s7;
	s7 =	simm.s32 @!p0 $0x108  }
0x21: {  	s3 =	sadd.s32 s3, s9;
	s6 =	sadd.s32 @!p0 $0x88, s6;
	s7 =	simm.s32 @p2 $0x1082  }
0x22: {  	[simem:s7], [sflag:s8] =	dma.local @!p0 [hbm:s6], $0xF7A  }
0x23: {  	s9 =	sor.u32 $0xD0000000, s2;
	s6 =	simm.s32 $0x108;
	_ =	swait.ge @!p0 [sflag:s8], $0x0  }
0x24: {  	s3 =	sadd.s32 $0x88, s3;
	s6 =	simm.s32 @!p1 $0x1082;
	[sflag:s4] =	ssyncset.s32 $0xFFFFF086  }
0x25: {  	[simem:s6], [sflag:s4] =	dma.local [hbm:s3], $0xF7A  }
0x26: {  	[smem:$0x3F9B] =	sst s1;
	(tag) =	ssettag s2;
	_ =	strace s9  }
0x27: {  	s1 =	sld [smem:$0x3FAB]  }
0x28: {  	s2 =	sld [smem:$0x3FAC]  }
0x29: {  	s4 =	sld [smem:$0x3FAE]  }
0x2a: {  	p0 =	seq.s32 s5, $0x0;
	s5 =	sld [smem:$0x3FAF]  }
0x2b: {  	s6 =	sld [smem:$0x3FB0]  }
0x2c: {  	s7 =	sld [smem:$0x3FB1]  }
0x2d: {  	s3 =	simm.s32 $0x108;
	s8 =	sld [smem:$0x3FB2]  }
0x2e: {  	s3 =	simm.s32 @!p0 $0x1082;
	s9 =	sld [smem:$0x3FB3]  }
0x2f: {  	lr =	sadd.s32 s0, s3;
	s0 =	sld [smem:$0x3FAA]  }
0x30: {  	s3 =	sld [smem:$0x3FAD]  }
0x31: {  	[smem:$0x3FB6] =	sst s10  }
0x32: {  	s10 =	sld [smem:$0x3FB4];
	_ =	sdelay $0x3  }
0x33: {  	p0 =	seq.s32 s10, $0x1;
	s10 =	sld [smem:$0x3FB6];
	_ =	sdelay $0x3  }
0x34: {  	[smem:$0x3FB6] =	sst s10  }
0x35: {  	s10 =	sld [smem:$0x3FB5];
	_ =	sdelay $0x3  }
0x36: {  	p1 =	seq.s32 s10, $0x1;
	s10 =	sld [smem:$0x3FB6];
	_ =	sdelay $0x3  }
0x37: {  	[smem:$0x3FB6] =	sst s10  }
0x38: {  	s10 =	sld [smem:$0x3FB7]  }
0x39: {  	_ = 	snop;
	(pc) =	sbr.ind lr, $3  }
0x3a: {  	_ = 	snop  }
0x3b: {  	_ = 	snop  }
0x3c: {  	p2 =	seq.s32 s10, $0x1;
	s10 =	sld [smem:$0x3FB6]  }
0x3d: {  	_ =	shalt  }
0x3e: {  	_ =	shalt  }
0x3f: {  	_ =	shalt  }
0x40: {  	_ =	shalt  }
0x41: {  	_ =	shalt  }
0x42: {  	_ =	shalt  }
0x43: {  	_ =	shalt  }
0x44: {  	_ =	shalt  }
0x45: {  	_ =	shalt  }
0x46: {  	_ =	shalt  }
0x47: {  	_ =	shalt  }
0x48: {  	_ =	shalt  }
0x49: {  	_ =	shalt  }
0x4a: {  	_ =	shalt  }
0x4b: {  	_ =	shalt  }
0x4c: {  	_ =	shalt  }
0x4d: {  	_ =	shalt  }
0x4e: {  	_ =	shalt  }
0x4f: {  	_ =	shalt  }
0x50: {  	_ =	shalt  }
0x51: {  	_ =	shalt  }
0x52: {  	_ =	shalt  }
0x53: {  	_ =	shalt  }
0x54: {  	_ =	shalt  }
0x55: {  	_ =	shalt  }
0x56: {  	_ =	shalt  }
0x57: {  	_ =	shalt  }
0x58: {  	_ =	shalt  }
0x59: {  	_ =	shalt  }
0x5a: {  	_ =	shalt  }
0x5b: {  	_ =	shalt  }
0x5c: {  	_ =	shalt  }
0x5d: {  	_ =	shalt  }
0x5e: {  	_ =	shalt  }
0x5f: {  	_ =	shalt  }
0x60: {  	_ =	shalt  }
0x61: {  	_ =	shalt  }
0x62: {  	_ =	shalt  }
0x63: {  	_ =	shalt  }
0x64: {  	_ =	shalt  }
0x65: {  	_ =	shalt  }
0x66: {  	_ =	shalt  }
0x67: {  	_ =	shalt  }
0x68: {  	_ =	shalt  }
0x69: {  	_ =	shalt  }
0x6a: {  	_ =	shalt  }
0x6b: {  	_ =	shalt  }
0x6c: {  	_ =	shalt  }
0x6d: {  	_ =	shalt  }
0x6e: {  	_ =	shalt  }
0x6f: {  	_ =	shalt  }
0x70: {  	_ =	shalt  }
0x71: {  	_ =	shalt  }
0x72: {  	_ =	shalt  }
0x73: {  	_ =	shalt  }
0x74: {  	_ =	shalt  }
0x75: {  	_ =	shalt  }
0x76: {  	_ =	shalt  }
0x77: {  	_ =	shalt  }
0x78: {  	_ =	shalt  }
0x79: {  	_ =	shalt  }
0x7a: {  	_ =	shalt  }
0x7b: {  	_ =	shalt  }
0x7c: {  	_ =	shalt  }
0x7d: {  	_ =	shalt  }
0x7e: {  	_ =	shalt  }
0x7f: {  	_ =	shalt  }
0x80: {  	_ =	shalt  }
0x81: {  	_ =	shalt  }
0x82: {  	_ =	shalt  }
0x83: {  	_ =	shalt  }
0x84: {  	_ =	shalt  }
0x85: {  	_ =	shalt  }
0x86: {  	_ =	shalt  }
0x87: {  	_ =	shalt  }
.Lfunc_end0:
.L_simem_size_0:
called_computation.1_lowered:
.L_overlay_start_0:
0x88: {  	s2 =	sld [smem:$0x3FD9]  }
0x89: {  	s3 =	sld [smem:$0x3FFE];
	_ =	sdelay $0x1  }
0x8a: {  	s1 =	srdreg.scid  }
0x8b: {  	s0 =	sand.u32 $0x1, s1  }
0x8c: {  	s17 =	sshll.u32 s0, $0xA;
	s2 =	sadd.s32 s3, s2  }
0x8d: {  	s2 =	sadd.s32 s2, s17  }
0x8e: {  	[smem:$0x3FC2] =	sst s2  }
0x8f: {  	_ = 	snop  }
0x90: {  	s2 =	sld [smem:$0x3FD0];
	(tm) =	ssettm $0x1  }
0x91: {  	s18 =	sld [smem:$0x3FFB];
	_ =	sdelay $0x3  }
0x92: {  	_ =	strace s18  }
0x93: {  	s3 =	sld [smem:$0x3FFC];
	_ =	sdelay $0x3  }
0x94: {  	_ =	strace s3  }
0x95: {  	s3 =	sld [smem:$0x3FFD];
	_ =	sdelay $0x3  }
0x96: {  	_ =	strace s3  }
0x97: {  	_ =	strace $0x8FFFFFFF  }
0x98: {  	s19 =	sld [smem:$0x3FDB];
	_ =	sdelay $0x1  }
0x99: {  	s4 =	simm.s32 $_scs_section_size  }
0x9a: {  	s5 =	simm.s32 $_size__tile_overlayer_lowered;
	s6 =	simm.s32 $_tile_overlayer_lowered  }
0x9b: {  	s22 =	simm.s32 $0x1BFF;
	s21 =	sshll.u32 s6, $0x1;
	s3 =	sadd.s32 s4, s19  }
0x9c: {  	s7 =	simm.s32 $0x0;
	s20 =	sshll.u32 s5, $0x1;
	s5 =	sadd.s32 s21, s3  }
0x9d: {  	[timem:s7], [sflag:s22] =	dma.local [hbm:s5], s20  }
0x9e: {  	_ =	swait.ge [sflag:s22], s20  }
0x9f: {  	s4 =	ssub.s32 $0x0, s20;
	[sflag:s22] =	ssyncset.done $0x0  }
0xa0: {  	[sflag:s22] =	ssyncadd.s32 s4;
	_ =	sdelay $0x1  }
0xa1: {  	s23 =	simm.s32 $0x1B8B  }
0xa2: {  	_ =	swait.ge [sflag:s23], $0x1  }
0xa3: {  	[sflag:s23] =	ssyncset.done $0x0  }
0xa4: {  	s25 =	simm.s32 $0x1B8E;
	s24 =	sld [smem:$0x3FFE];
	[sflag:s23] =	ssyncadd.s32 $0xFFFFFFFF  }
0xa5: {  	s26 =	simm.s32 $execute0_lowered;
	[smem:$0x3FD2] =	sst s25  }
0xa6: {  	s5 =	sshll.u32 s26, $0x1;
	_ =	strace $0x80000049;
	[dreg:$0x1] =	wrdreg $0xFFFFFFFF  }
0xa7: {  	s28 =	simm.s32 $_size_execute0_lowered;
	s3 =	sadd.s32 s3, s5;
	[dreg:$0x0] =	wrdreg $0x0  }
0xa8: {  	s5 =	sshll.u32 s28, $0x1;
	[dreg:$0x2] =	wrdreg s3  }
0xa9: {  	[dreg:$0x3] =	wrdreg s5  }
0xaa: {  	[dreg:$0x4] =	wrdreg $0xC0  }
0xab: {  	_ =	task [dreg:s7], $0x5FFFF  }
0xac: {  	[dreg:$0x1] =	wrdreg $0xFFFFFFFF  }
0xad: {  	[dreg:$0x0] =	wrdreg $0x60  }
0xae: {  	[dreg:$0x2] =	wrdreg s24  }
0xaf: {  	[dreg:$0x3] =	wrdreg s2  }
0xb0: {  	[dreg:$0x4] =	wrdreg $0xC0800  }
0xb1: {  	[dreg:$0x5] =	wrdreg $0x9  }
0xb2: {  	_ =	task.clear_ibuf [dreg:s7], $0x6FFFF;
	_ =	strace $0x90000049  }
0xb3: {  	s29 =	simm.s32 $0x9;
	_ =	strace $0x8000004B  }
0xb4: {  	_ =	swait.ge [sflag:s29], $0x1  }
0xb5: {  	[sflag:s29] =	ssyncadd.s32 $0xFFFFFFFF  }
0xb6: {  	_ =	strace $0x9000004B  }
0xb7: {  	_ =	sfence  }
0xb8: {  	s30 =	sld [smem:$0x0];
	_ =	sdelay $0x2  }
0xb9: {  	s31 =	sshll.u32 s1, $0xD;
	s1 =	sshrl.u32 s1, $0x2  }
0xba: {  	s3 =	sand.u32 $0x4000, s31;
	s1 =	sadd.s32 s1, s30  }
0xbb: {  	s0 =	sor.u32 s3, s0;
	s1 =	sshll.u32 s1, $0x11  }
0xbc: {  	s0 =	sor.u32 s1, s0  }
0xbd: {  	s0 =	sadd.s32 $0x8F2B, s0  }
0xbe: {  	[sflag:s0] =	ssyncadd.remote.s32 $0x1  }
0xbf: {  	_ =	sfence.sel $0xFFFF  }
0xc0: {  	[dreg:$0x0] =	wrdreg $0xFFFFFFFF;
	(pc) =	sbr.abs _section_cstart, $3  }
0xc1: {  	[dreg:$0x1] =	wrdreg $0xFFFFFFFF  }
0xc2: {  	_ =	task.clear_ibuf [dreg:s7], $0x2FFFF;
	_ =	strace $0x9FFFFFFF  }
0xc3: {  	(tm) =	ssettm $0x7FFFFFFF  }
tec
execute0_lowered:
.L_overlay_start_1:
0x0: {  	(tag) =	ssettag $0x1  }
0x1: {  	s6 =	rddreg [dreg:$0x0]  }
0x2: {  	s2 =	rddreg [dreg:$0x1]  }
0x3: {  	s3 =	rddreg [dreg:$0x2];
	s4 =	srdreg.scid  }
0x4: {  	s0 =	rddreg [dreg:$0x3];
	s1 =	stileid.u32  }
0x5: {  	s13 =	simm.s32 $0x1;
	s14 =	simm.s32 $0x2;
	s15 =	simm.s32 $0x70  }
0x6: {  	s16 =	simm.s32 $0x5080;
	s17 =	simm.s32 $0x8880;
	s18 =	simm.s32 $0x3  }
0x7: {  	s19 =	simm.s32 $0x4FA0;
	s20 =	simm.s32 $0x5010;
	s22 =	simm.s32 $0x0  }
0x8: {  	s7 =	sand.u32 $0x1, s4;
	s4 =	simm.s32 $0x0;
	s8 =	smul.u32 $0x13C00, s1  }
0x9: {  	s21 =	sshll.u32 s1, $0x6;
	s5 =	sshll.u32 s7, $0x4;
	[smem:$0x7FF] =	sst s4  }
0xa: {  	s9 =	smul.u32 $0x13C000, s7;
	s7 =	ssub.s32 $0x2, s7;
	s5 =	sor.u32 s1, s5  }
0xb: {  	_ =	strace $0x8000004A;
	s11 =	sshrl.u32 s7, $0x1;
	s10 =	smul.u32 $0x508, s5  }
0xc: {  	s12 =	sadd.s32 s8, s3;
	s5 =	sadd.s32 $0x79800, s6;
	s9 =	sadd.s32 s8, s9  }
0xd: {  	s11 =	ssub.s32 s7, s11;
	s9 =	sshrl.u32 s9, $0x3;
	s10 =	sadd.s32 s10, s6  }
0xe: {  	s9 =	sadd.s32 s9, s6;
	s6 =	sor.u32 $0x1C01, s21;
	s21 =	sor.u32 $0x1C03, s21  }
0xf: {  	s7 =	sadd.s32 $0x2200, s10;
	s8 =	sadd.s32 $0xC400, s10;
	s9 =	sadd.s32 $0xA0A00, s9  }
0x10: {  	s10 =	smax.u32 s11, $0x1;
	s11 =	sshrl.u32 s12, $0x3;
	s12 =	simm.s32 $0x2840  }
.LBB2_1:
0x11: {  	[spmem:s11], [sflag:s6] =	dma.local [hbm:s2], $0x2780  }
0x12: {  	[tilespmem:s4], [sflag:$0x1] =	stream.linear.gather [hbm4b:s7+s4], $0x2840, $0x38;
	[tilespmem:$0x1FC80] =	vst v63  }
0x13: {  	_ = 	snop  }
0x14: {  	[tilespmem:s12], [sflag:$0x2] =	stream.linear.gather [hbm4b:s8+s4], $0x2840, $0x38;
	[tilespmem:$0x1FC80] =	vst v63  }
0x15: {  	_ =	swait.ge [sflag:s13], $0x2780  }
0x16: {  	[sflag:s13] =	ssyncset.done $0x0  }
0x17: {  	[sflag:s13] =	ssyncadd.s32 $0xFFFFD880  }
0x18: {  	_ =	swait.ge [sflag:s13], $0x2840  }
0x19: {  	[sflag:s13] =	ssyncset.done $0x0  }
0x1a: {  	[sflag:s13] =	ssyncadd.s32 $0xFFFFD7C0  }
0x1b: {  	_ =	swait.ge [sflag:s14], $0x2840  }
0x1c: {  	[sflag:s14] =	ssyncset.done $0x0  }
0x1d: {  	[sflag:s14] =	ssyncadd.s32 $0xFFFFD7C0  }
0x1e: {  	[bflag:$0x0] =	sbarrier.arrive $0xFFFF  }
0x1f: {  	[tilespmem:s16], [sflag:$0x1] =	stream.indirect.gather [hbm4b:s5+s15], $0x80, s4, s15, $0xb8;
	[tilespmem:$0x1FC80] =	vst v63  }
0x20: {  	_ = 	snop  }
0x21: {  	[tilespmem:s17], [sflag:$0x2] =	stream.indirect.gather [hbm4b:s5+s15], $0x80, s15, s15, $0xb8;
	[tilespmem:$0x1FC80] =	vst v63  }
0x22: {  	_ =	swait.ge [sflag:s13], $0x3800  }
0x23: {  	[sflag:s13] =	ssyncset.done $0x0  }
0x24: {  	s23 =	simm.s32 $0x2840;
	[sflag:s13] =	ssyncadd.s32 $0xFFFFC800  }
0x25: {  	[spmem:s3] =	stream.indirect.scatter.add.f32 [tilespmem:s16], [sflag:$0x3], $0x80, s23, s15, $0xb8;
	[tilespmem:$0x1FC80] =	vst v63  }
0x26: {  	_ =	swait.ge [sflag:s18], $0x3800  }
0x27: {  	[sflag:s18] =	ssyncset.done $0x0  }
0x28: {  	s30 =	simm.s32 $0xE0;
	[sflag:s18] =	ssyncadd.s32 $0xFFFFC800  }
0x29: {  	[tilespmem:s16], [sflag:$0x1] =	stream.indirect.gather [hbm4b:s5+s15], $0x80, s30, s15, $0xb8;
	[tilespmem:$0x1FC80] =	vst v63  }
0x2a: {  	_ =	swait.ge [sflag:s14], $0x3800  }
0x2b: {  	[sflag:s14] =	ssyncset.done $0x0  }
0x2c: {  	s31 =	simm.s32 $0x28B0;
	[sflag:s14] =	ssyncadd.s32 $0xFFFFC800  }
0x2d: {  	[spmem:s3] =	stream.indirect.scatter.add.f32 [tilespmem:s17], [sflag:$0x3], $0x80, s31, s15, $0xb8;
	[tilespmem:$0x1FC80] =	vst v63  }
0x2e: {  	_ =	swait.ge [sflag:s18], $0x3800  }
0x2f: {  	[sflag:s18] =	ssyncset.done $0x0  }
0x30: {  	s24 =	simm.s32 $0x150;
	s23 =	simm.s32 $0x380;
	[sflag:s18] =	ssyncadd.s32 $0xFFFFC800  }
.LBB2_2:
0x31: {  	[tilespmem:s17], [sflag:$0x2] =	stream.indirect.gather [hbm4b:s5+s15], $0x80, s24, s15, $0xb8;
	[tilespmem:$0x1FC80] =	vst v63  }
0x32: {  	s24 =	smov.u32 s23  }
0x33: {  	p0 =	sne.s32 s23, $0x9A00;
	s23 =	sadd.s32 $0x380, s23;
	_ =	swait.ge [sflag:s13], $0x3800  }
0x34: {  	s24 =	sshra.s32 s24, $0x2;
	[sflag:s13] =	ssyncset.done $0x0  }
0x35: {  	s25 =	sadd.s32 $0x2840, s24;
	[sflag:s13] =	ssyncadd.s32 $0xFFFFC800  }
0x36: {  	[spmem:s3] =	stream.indirect.scatter.add.f32 [tilespmem:s16], [sflag:$0x3], $0x80, s25, s15, $0xb8;
	[tilespmem:$0x1FC80] =	vst v63  }
0x37: {  	_ =	swait.ge [sflag:s18], $0x3800  }
0x38: {  	[sflag:s18] =	ssyncset.done $0x0  }
0x39: {  	s25 =	sadd.s32 $0xE0, s24;
	[sflag:s18] =	ssyncadd.s32 $0xFFFFC800  }
0x3a: {  	[tilespmem:s16], [sflag:$0x1] =	stream.indirect.gather [hbm4b:s5+s15], $0x80, s25, s15, $0xb8;
	[tilespmem:$0x1FC80] =	vst v63  }
0x3b: {  	_ =	swait.ge [sflag:s14], $0x3800  }
0x3c: {  	[sflag:s14] =	ssyncset.done $0x0  }
.Ltmp0:
0x3d: {  	s25 =	sadd.s32 $0x28B0, s24;
	[sflag:s14] =	ssyncadd.s32 $0xFFFFC800;
	(pc) =	sbr.rel @p0 .LBB2_2-.Ltmp0, $4  }
0x3e: {  	[spmem:s3] =	stream.indirect.scatter.add.f32 [tilespmem:s17], [sflag:$0x3], $0x80, s25, s15, $0xb8;
	[tilespmem:$0x1FC80] =	vst v63  }
0x3f: {  	_ =	swait.ge [sflag:s18], $0x3800  }
0x40: {  	[sflag:s18] =	ssyncset.done $0x0  }
0x41: {  	s24 =	sadd.s32 $0x150, s24;
	[sflag:s18] =	ssyncadd.s32 $0xFFFFC800  }
0x42: {  	[tilespmem:s17], [sflag:$0x2] =	stream.indirect.gather [hbm4b:s5+s15], $0x80, s24, s15, $0xb8;
	[tilespmem:$0x1FC80] =	vst v63  }
0x43: {  	_ =	swait.ge [sflag:s13], $0x3800  }
0x44: {  	[sflag:s13] =	ssyncset.done $0x0  }
0x45: {  	[sflag:s13] =	ssyncadd.s32 $0xFFFFC800  }
0x46: {  	[spmem:s3] =	stream.indirect.scatter.add.f32 [tilespmem:s16], [sflag:$0x3], $0x80, s19, s15, $0xb8;
	[tilespmem:$0x1FC80] =	vst v63  }
0x47: {  	_ =	swait.ge [sflag:s18], $0x3800  }
0x48: {  	[sflag:s18] =	ssyncset.done $0x0  }
0x49: {  	[sflag:s18] =	ssyncadd.s32 $0xFFFFC800  }
0x4a: {  	_ =	swait.ge [sflag:s14], $0x3800  }
0x4b: {  	[sflag:s14] =	ssyncset.done $0x0  }
0x4c: {  	[sflag:s14] =	ssyncadd.s32 $0xFFFFC800  }
0x4d: {  	[spmem:s3] =	stream.indirect.scatter.add.f32 [tilespmem:s17], [sflag:$0x3], $0x80, s20, s15, $0xb8;
	[tilespmem:$0x1FC80] =	vst v63  }
0x4e: {  	_ =	swait.ge [sflag:s18], $0x3800  }
0x4f: {  	s22 =	sadd.s32 $0x1, s22;
	[sflag:s18] =	ssyncset.done $0x0  }
0x50: {  	p0 =	sne.s32 s22, s10;
	[sflag:s18] =	ssyncadd.s32 $0xFFFFC800  }
.Ltmp1:
0x51: {  	[bflag:$0x0] =	sbarrier.arrive $0xFFFF;
	(pc) =	sbr.rel @p0 .LBB2_1-.Ltmp1, $4  }
0x52: {  	[hbm:s9], [sflag:s21] =	dma.local [spmem:s11], $0x2780  }
0x53: {  	_ =	swait.ge [sflag:s18], $0x2780  }
0x54: {  	[sflag:s18] =	ssyncset.done $0x0  }
0x55: {  	[sflag:s18] =	ssyncadd.s32 $0xFFFFD880  }
0x56: {  	_ =	sfence.sel $0x180000  }
0x57: {  	[bflag:$0x0] =	sbarrier.arrive $0xFFFF  }
0x58: {  	p0 =	sne.s32 s1, $0x0;
	_ =	strace $0x9000004A  }
0x59: {  	s0 =	sadd.s32 @!p0 $0x100000, s0;
	[bflag:$0x2] =	sbarrier.arrive $0xFFFF  }
0x5a: {  	[sflag:s0] =	ssyncadd.tile.s32 @!p0 $0x1;
	_ =	shalt  }
.Lfunc_end2:
_tile_overlayer_lowered:
.L_overlay_start_2:
0x5b: {  	(tag) =	ssettag $0x2  }
0x5c: {  	s0 =	rddreg [dreg:$0x0];
	s2 =	stileid.u32  }
0x5d: {  	s1 =	rddreg [dreg:$0x1];
	p0 =	sne.s32 s2, $0x0  }
0x5e: {  	s3 =	rddreg [dreg:$0x2];
	[bflag:$0x3] =	sbarrier.arrive $0xFFFF;
	s2 =	simm.s32 @!p0 $0x1C03  }
0x5f: {  	[timem:s3], [sflag:s2] =	dma.local @!p0 [hbm:s0], s1  }
0x60: {  	s0 =	simm.s32 @!p0 $0x3  }
0x61: {  	_ =	swait.ge @!p0 [sflag:s0], s1  }
0x62: {  	s1 =	ssub.s32 @!p0 $0x0, s1;
	[sflag:s0] =	ssyncset.done @!p0 $0x0  }
0x63: {  	[sflag:s0] =	ssyncadd.s32 @!p0 s1  }
0x64: {  	[bflag:$0x3] =	sbarrier.arrive $0xFFFF  }
0x65: {  	_ =	shalt  }

// kernel: kernel.14.cloned.1.call-start
scs
__scs_entry_jumppad:
0x0: {  	(pc) =	sbr.rel $0x88, $3  }
0x1: {  	(tag) =	ssettag $0x0;
	lr =	simm.s32 $0x1  }
0x2: {  	[smem:$0x3F9B] =	sst lr;
	_ =	strace $0xD0000000  }
0x3: {  	_ = 	snop  }
0x4: {  	_ = 	snop  }
0x5: {  	_ = 	snop  }
0x6: {  	_ = 	snop  }
0x7: {  	_ = 	snop  }
__scs_overlays_trampoline_lowered:
0x8: {  	[smem:$0x3FAA] =	sst s0  }
0x9: {  	[smem:$0x3FAB] =	sst s1  }
0xa: {  	[smem:$0x3FAC] =	sst s2  }
0xb: {  	[smem:$0x3FAD] =	sst s3  }
0xc: {  	[smem:$0x3FAE] =	sst s4  }
0xd: {  	[smem:$0x3FAF] =	sst s5  }
0xe: {  	[smem:$0x3FB0] =	sst s6  }
0xf: {  	[smem:$0x3FB1] =	sst s7  }
0x10: {  	[smem:$0x3FB2] =	sst s8  }
0x11: {  	[smem:$0x3FB3] =	sst s9;
	s0 =	simm.s32 @!p0 $0x0  }
0x12: {  	s1 =	sld [smem:$0x3F99];
	s0 =	simm.s32 @p0 $0x1  }
0x13: {  	[smem:$0x3FB4] =	sst s0;
	s0 =	simm.s32 @!p1 $0x0  }
0x14: {  	s2 =	sld [smem:$0x3F98];
	s0 =	simm.s32 @p1 $0x1  }
0x15: {  	[smem:$0x3FB5] =	sst s0;
	s0 =	simm.s32 @!p2 $0x0  }
0x16: {  	s3 =	sld [smem:$0x3FDB];
	s0 =	simm.s32 @p2 $0x1  }
0x17: {  	s4 =	simm.s32 $0x1BF5;
	[smem:$0x3FB7] =	sst s0  }
0x18: {  	s0 =	sld [smem:$0x3F9A];
	_ =	swait.ge [sflag:s4], $0x0  }
0x19: {  	s7 =	sld [smem:$0x3F9B]  }
0x1a: {  	s8 =	sadd.s32 $0xFFFFE003, lr  }
0x1b: {  	s9 =	sadd.s32 $0xFFFFFEF7, lr;
	s5 =	simm.s32 $0xFFFFFFFF;
	p2 =	slt.u32 s8, $0xFFFFF086  }
0x1c: {  	p1 =	slt.u32 s9, $0xF7A;
	s5 =	simm.s32 @!p2 $0x0  }
0x1d: {  	s5 =	simm.s32 @p1 $0x1;
	p0 =	seq.s32 s7, s2  }
0x1e: {  	s7 =	smul.u32 @!p0 $0xF7A, s2;
	p2 =	seq.s32 @!p0 s5, $0x0  }
0x1f: {  	s9 =	smul.u32 $0xF7A, s1;
	s8 =	simm.s32 @!p0 $0x1BF5;
	p2 =	por !p2, p0  }
0x20: {  	[sflag:s8] =	ssyncset.s32 @!p0 $0xFFFFF086;
	s6 =	sadd.s32 @!p0 s3, s7;
	s7 =	simm.s32 @!p0 $0x108  }
0x21: {  	s3 =	sadd.s32 s3, s9;
	s6 =	sadd.s32 @!p0 $0x88, s6;
	s7 =	simm.s32 @p2 $0x1082  }
0x22: {  	[simem:s7], [sflag:s8] =	dma.local @!p0 [hbm:s6], $0xF7A  }
0x23: {  	s9 =	sor.u32 $0xD0000000, s2;
	s6 =	simm.s32 $0x108;
	_ =	swait.ge @!p0 [sflag:s8], $0x0  }
0x24: {  	s3 =	sadd.s32 $0x88, s3;
	s6 =	simm.s32 @!p1 $0x1082;
	[sflag:s4] =	ssyncset.s32 $0xFFFFF086  }
0x25: {  	[simem:s6], [sflag:s4] =	dma.local [hbm:s3], $0xF7A  }
0x26: {  	[smem:$0x3F9B] =	sst s1;
	(tag) =	ssettag s2;
	_ =	strace s9  }
0x27: {  	s1 =	sld [smem:$0x3FAB]  }
0x28: {  	s2 =	sld [smem:$0x3FAC]  }
0x29: {  	s4 =	sld [smem:$0x3FAE]  }
0x2a: {  	p0 =	seq.s32 s5, $0x0;
	s5 =	sld [smem:$0x3FAF]  }
0x2b: {  	s6 =	sld [smem:$0x3FB0]  }
0x2c: {  	s7 =	sld [smem:$0x3FB1]  }
0x2d: {  	s3 =	simm.s32 $0x108;
	s8 =	sld [smem:$0x3FB2]  }
0x2e: {  	s3 =	simm.s32 @!p0 $0x1082;
	s9 =	sld [smem:$0x3FB3]  }
0x2f: {  	lr =	sadd.s32 s0, s3;
	s0 =	sld [smem:$0x3FAA]  }
0x30: {  	s3 =	sld [smem:$0x3FAD]  }
0x31: {  	[smem:$0x3FB6] =	sst s10  }
0x32: {  	s10 =	sld [smem:$0x3FB4];
	_ =	sdelay $0x3  }
0x33: {  	p0 =	seq.s32 s10, $0x1;
	s10 =	sld [smem:$0x3FB6];
	_ =	sdelay $0x3  }
0x34: {  	[smem:$0x3FB6] =	sst s10  }
0x35: {  	s10 =	sld [smem:$0x3FB5];
	_ =	sdelay $0x3  }
0x36: {  	p1 =	seq.s32 s10, $0x1;
	s10 =	sld [smem:$0x3FB6];
	_ =	sdelay $0x3  }
0x37: {  	[smem:$0x3FB6] =	sst s10  }
0x38: {  	s10 =	sld [smem:$0x3FB7]  }
0x39: {  	_ = 	snop;
	(pc) =	sbr.ind lr, $3  }
0x3a: {  	_ = 	snop  }
0x3b: {  	_ = 	snop  }
0x3c: {  	p2 =	seq.s32 s10, $0x1;
	s10 =	sld [smem:$0x3FB6]  }
0x3d: {  	_ =	shalt  }
0x3e: {  	_ =	shalt  }
0x3f: {  	_ =	shalt  }
0x40: {  	_ =	shalt  }
0x41: {  	_ =	shalt  }
0x42: {  	_ =	shalt  }
0x43: {  	_ =	shalt  }
0x44: {  	_ =	shalt  }
0x45: {  	_ =	shalt  }
0x46: {  	_ =	shalt  }
0x47: {  	_ =	shalt  }
0x48: {  	_ =	shalt  }
0x49: {  	_ =	shalt  }
0x4a: {  	_ =	shalt  }
0x4b: {  	_ =	shalt  }
0x4c: {  	_ =	shalt  }
0x4d: {  	_ =	shalt  }
0x4e: {  	_ =	shalt  }
0x4f: {  	_ =	shalt  }
0x50: {  	_ =	shalt  }
0x51: {  	_ =	shalt  }
0x52: {  	_ =	shalt  }
0x53: {  	_ =	shalt  }
0x54: {  	_ =	shalt  }
0x55: {  	_ =	shalt  }
0x56: {  	_ =	shalt  }
0x57: {  	_ =	shalt  }
0x58: {  	_ =	shalt  }
0x59: {  	_ =	shalt  }
0x5a: {  	_ =	shalt  }
0x5b: {  	_ =	shalt  }
0x5c: {  	_ =	shalt  }
0x5d: {  	_ =	shalt  }
0x5e: {  	_ =	shalt  }
0x5f: {  	_ =	shalt  }
0x60: {  	_ =	shalt  }
0x61: {  	_ =	shalt  }
0x62: {  	_ =	shalt  }
0x63: {  	_ =	shalt  }
0x64: {  	_ =	shalt  }
0x65: {  	_ =	shalt  }
0x66: {  	_ =	shalt  }
0x67: {  	_ =	shalt  }
0x68: {  	_ =	shalt  }
0x69: {  	_ =	shalt  }
0x6a: {  	_ =	shalt  }
0x6b: {  	_ =	shalt  }
0x6c: {  	_ =	shalt  }
0x6d: {  	_ =	shalt  }
0x6e: {  	_ =	shalt  }
0x6f: {  	_ =	shalt  }
0x70: {  	_ =	shalt  }
0x71: {  	_ =	shalt  }
0x72: {  	_ =	shalt  }
0x73: {  	_ =	shalt  }
0x74: {  	_ =	shalt  }
0x75: {  	_ =	shalt  }
0x76: {  	_ =	shalt  }
0x77: {  	_ =	shalt  }
0x78: {  	_ =	shalt  }
0x79: {  	_ =	shalt  }
0x7a: {  	_ =	shalt  }
0x7b: {  	_ =	shalt  }
0x7c: {  	_ =	shalt  }
0x7d: {  	_ =	shalt  }
0x7e: {  	_ =	shalt  }
0x7f: {  	_ =	shalt  }
0x80: {  	_ =	shalt  }
0x81: {  	_ =	shalt  }
0x82: {  	_ =	shalt  }
0x83: {  	_ =	shalt  }
0x84: {  	_ =	shalt  }
0x85: {  	_ =	shalt  }
0x86: {  	_ =	shalt  }
0x87: {  	_ =	shalt  }
.Lfunc_end0:
.L_simem_size_0:
called_computation.2_lowered:
.L_overlay_start_0:
0x88: {  	s2 =	sld [smem:$0x3FD9]  }
0x89: {  	s3 =	sld [smem:$0x3FFE];
	_ =	sdelay $0x1  }
0x8a: {  	s1 =	srdreg.scid  }
0x8b: {  	s0 =	sand.u32 $0x1, s1  }
0x8c: {  	s17 =	sshll.u32 s0, $0xA;
	s2 =	sadd.s32 s3, s2  }
0x8d: {  	s2 =	sadd.s32 s2, s17  }
0x8e: {  	[smem:$0x3FC2] =	sst s2  }
0x8f: {  	_ = 	snop  }
0x90: {  	s2 =	sld [smem:$0x3FD0];
	(tm) =	ssettm $0x1  }
0x91: {  	s18 =	sld [smem:$0x3FFB];
	_ =	sdelay $0x3  }
0x92: {  	_ =	strace s18  }
0x93: {  	s3 =	sld [smem:$0x3FFC];
	_ =	sdelay $0x3  }
0x94: {  	_ =	strace s3  }
0x95: {  	s3 =	sld [smem:$0x3FFD];
	_ =	sdelay $0x3  }
0x96: {  	_ =	strace s3  }
0x97: {  	_ =	strace $0x8FFFFFFF  }
0x98: {  	s19 =	sld [smem:$0x3FDB];
	_ =	sdelay $0x1  }
0x99: {  	s4 =	simm.s32 $_scs_section_size  }
0x9a: {  	s5 =	simm.s32 $_size__tile_overlayer_lowered;
	s6 =	simm.s32 $_tile_overlayer_lowered  }
0x9b: {  	s22 =	simm.s32 $0x1BFF;
	s21 =	sshll.u32 s6, $0x1;
	s3 =	sadd.s32 s4, s19  }
0x9c: {  	s7 =	simm.s32 $0x0;
	s20 =	sshll.u32 s5, $0x1;
	s5 =	sadd.s32 s21, s3  }
0x9d: {  	[timem:s7], [sflag:s22] =	dma.local [hbm:s5], s20  }
0x9e: {  	_ =	swait.ge [sflag:s22], s20  }
0x9f: {  	s4 =	ssub.s32 $0x0, s20;
	[sflag:s22] =	ssyncset.done $0x0  }
0xa0: {  	[sflag:s22] =	ssyncadd.s32 s4;
	_ =	sdelay $0x1  }
0xa1: {  	s23 =	simm.s32 $0x1B8B  }
0xa2: {  	_ =	swait.ge [sflag:s23], $0x1  }
0xa3: {  	[sflag:s23] =	ssyncset.done $0x0  }
0xa4: {  	s25 =	simm.s32 $0x1B8E;
	s24 =	sld [smem:$0x3FFE];
	[sflag:s23] =	ssyncadd.s32 $0xFFFFFFFF  }
0xa5: {  	s26 =	simm.s32 $execute0_lowered;
	[smem:$0x3FD2] =	sst s25  }
0xa6: {  	s5 =	sshll.u32 s26, $0x1;
	_ =	strace $0x8000004C;
	[dreg:$0x1] =	wrdreg $0xFFFFFFFF  }
0xa7: {  	s28 =	simm.s32 $_size_execute0_lowered;
	s3 =	sadd.s32 s3, s5;
	[dreg:$0x0] =	wrdreg $0x0  }
0xa8: {  	s5 =	sshll.u32 s28, $0x1;
	[dreg:$0x2] =	wrdreg s3  }
0xa9: {  	[dreg:$0x3] =	wrdreg s5  }
0xaa: {  	[dreg:$0x4] =	wrdreg $0xC0  }
0xab: {  	_ =	task [dreg:s7], $0x5FFFF  }
0xac: {  	[dreg:$0x1] =	wrdreg $0xFFFFFFFF  }
0xad: {  	[dreg:$0x0] =	wrdreg $0x60  }
0xae: {  	[dreg:$0x2] =	wrdreg s2  }
0xaf: {  	[dreg:$0x3] =	wrdreg s24  }
0xb0: {  	[dreg:$0x4] =	wrdreg $0xC0800  }
0xb1: {  	[dreg:$0x5] =	wrdreg $0x9  }
0xb2: {  	_ =	task.clear_ibuf [dreg:s7], $0x6FFFF;
	_ =	strace $0x9000004C  }
0xb3: {  	s29 =	simm.s32 $0x9;
	_ =	strace $0x8000004E  }
0xb4: {  	_ =	swait.ge [sflag:s29], $0x1  }
0xb5: {  	[sflag:s29] =	ssyncadd.s32 $0xFFFFFFFF  }
0xb6: {  	_ =	strace $0x9000004E  }
0xb7: {  	_ =	sfence  }
0xb8: {  	s30 =	sld [smem:$0x0];
	_ =	sdelay $0x2  }
0xb9: {  	s31 =	sshll.u32 s1, $0xD;
	s1 =	sshrl.u32 s1, $0x2  }
0xba: {  	s3 =	sand.u32 $0x4000, s31;
	s1 =	sadd.s32 s1, s30  }
0xbb: {  	s0 =	sor.u32 s3, s0;
	s1 =	sshll.u32 s1, $0x11  }
0xbc: {  	s0 =	sor.u32 s1, s0  }
0xbd: {  	s0 =	sadd.s32 $0x8F2B, s0  }
0xbe: {  	[sflag:s0] =	ssyncadd.remote.s32 $0x1  }
0xbf: {  	_ =	sfence.sel $0xFFFF  }
0xc0: {  	[dreg:$0x0] =	wrdreg $0xFFFFFFFF;
	(pc) =	sbr.abs _section_cstart, $3  }
0xc1: {  	[dreg:$0x1] =	wrdreg $0xFFFFFFFF  }
0xc2: {  	_ =	task.clear_ibuf [dreg:s7], $0x2FFFF;
	_ =	strace $0x9FFFFFFF  }
0xc3: {  	(tm) =	ssettm $0x7FFFFFFF  }
tec
execute0_lowered:
.L_overlay_start_1:
0x0: {  	(tag) =	ssettag $0x1  }
0x1: {  	s2 =	rddreg [dreg:$0x0]  }
0x2: {  	s0 =	rddreg [dreg:$0x1];
	s1 =	srdreg.scid  }
0x3: {  	s3 =	rddreg [dreg:$0x2];
	s8 =	stileid.u32  }
0x4: {  	s4 =	simm.s32 $0x0;
	s14 =	simm.s32 $0x1;
	s15 =	simm.s32 $0x2  }
0x5: {  	s16 =	simm.s32 $0x70;
	s17 =	simm.s32 $0x5080;
	s18 =	simm.s32 $0x6C80  }
0x6: {  	s19 =	simm.s32 $0xE0;
	s20 =	simm.s32 $0x8880;
	s21 =	simm.s32 $0x150  }
0x7: {  	s22 =	simm.s32 $0xA480;
	s23 =	simm.s32 $0x5;
	s24 =	simm.s32 $0x3  }
0x8: {  	s25 =	simm.s32 $0x4;
	s28 =	simm.s32 $0x4F30;
	s29 =	simm.s32 $0x4FA0  }
0x9: {  	s30 =	simm.s32 $0x5010;
	s31 =	simm.s32 $0x0;
	s1 =	sand.u32 $0x1, s1  }
0xa: {  	s6 =	smul.u32 $0x9E00, s8;
	[smem:$0x7FF] =	sst s4;
	s5 =	sshll.u32 s1, $0x4  }
0xb: {  	s7 =	smul.u32 $0x9E000, s1;
	_ =	strace $0x8000004D;
	s1 =	ssub.s32 $0x2, s1  }
0xc: {  	s5 =	sor.u32 s8, s5;
	s26 =	sshrl.u32 s1, $0x1;
	s12 =	sadd.s32 s6, s3  }
0xd: {  	s5 =	smul.u32 $0x508, s5;
	s7 =	sadd.s32 s6, s7;
	s1 =	ssub.s32 s1, s26  }
0xe: {  	s6 =	sshll.u32 s8, $0x6;
	s12 =	sshrl.u32 s12, $0x3;
	s26 =	simm.s32 $0x4EC0  }
0xf: {  	s7 =	sshrl.u32 s7, $0x3;
	s11 =	smax.u32 s1, $0x1;
	s9 =	sadd.s32 s5, s0  }
0x10: {  	s5 =	sadd.s32 $0x16600, s0;
	s0 =	sadd.s32 s7, s0;
	s7 =	sor.u32 $0x1C01, s6  }
0x11: {  	s8 =	sadd.s32 $0x2200, s9;
	s9 =	sadd.s32 $0xC400, s9;
	s10 =	sadd.s32 $0x17A00, s0  }
.LBB2_1:
0x12: {  	[spmem:s12], [sflag:s7] =	dma.local [hbm:s5], $0x13C0  }
0x13: {  	[tilespmem:s4], [sflag:$0x1] =	stream.linear.gather [hbm4b:s8+s4], $0x2840, $0x38;
	[tilespmem:$0x15E80] =	vst v63  }
0x14: {  	s0 =	simm.s32 $0x2840  }
0x15: {  	[tilespmem:s0], [sflag:$0x2] =	stream.linear.gather [hbm4b:s9+s4], $0x2840, $0x38;
	[tilespmem:$0x15E80] =	vst v63  }
0x16: {  	_ =	swait.ge [sflag:s14], $0x13C0  }
0x17: {  	[sflag:s14] =	ssyncset.done $0x0  }
0x18: {  	[sflag:s14] =	ssyncadd.s32 $0xFFFFEC40  }
0x19: {  	_ =	swait.ge [sflag:s14], $0x2840  }
0x1a: {  	[sflag:s14] =	ssyncset.done $0x0  }
0x1b: {  	[sflag:s14] =	ssyncadd.s32 $0xFFFFD7C0  }
0x1c: {  	_ =	swait.ge [sflag:s15], $0x2840  }
0x1d: {  	[sflag:s15] =	ssyncset.done $0x0  }
0x1e: {  	[sflag:s15] =	ssyncadd.s32 $0xFFFFD7C0  }
0x1f: {  	[bflag:$0x0] =	sbarrier.arrive $0xFFFF  }
0x20: {  	[tilespmem:s17], [sflag:$0x1] =	stream.indirect.gather [hbm4b:s2+s16], $0x40, s4, s16, $0xb8;
	[tilespmem:$0x15E80] =	vst v63  }
0x21: {  	_ = 	snop  }
0x22: {  	[tilespmem:s18], [sflag:$0x2] =	stream.indirect.gather [hbm4b:s2+s16], $0x40, s16, s16, $0xb8;
	[tilespmem:$0x15E80] =	vst v63  }
0x23: {  	_ = 	snop  }
0x24: {  	[tilespmem:s20], [sflag:$0x3] =	stream.indirect.gather [hbm4b:s2+s16], $0x40, s19, s16, $0xb8;
	[tilespmem:$0x15E80] =	vst v63  }
0x25: {  	_ = 	snop  }
0x26: {  	[tilespmem:s22], [sflag:$0x4] =	stream.indirect.gather [hbm4b:s2+s16], $0x40, s21, s16, $0xb8;
	[tilespmem:$0x15E80] =	vst v63  }
0x27: {  	_ =	swait.ge [sflag:s14], $0x1C00  }
0x28: {  	[sflag:s14] =	ssyncset.done $0x0  }
0x29: {  	s13 =	simm.s32 $0x2840;
	[sflag:s14] =	ssyncadd.s32 $0xFFFFE400  }
0x2a: {  	[spmem:s3] =	stream.indirect.scatter.add.f32 [tilespmem:s17], [sflag:$0x5], $0x40, s13, s16, $0xb8;
	[tilespmem:$0x15E80] =	vst v63  }
0x2b: {  	_ =	swait.ge [sflag:s23], $0x1C00  }
0x2c: {  	[sflag:s23] =	ssyncset.done $0x0  }
0x2d: {  	s1 =	simm.s32 $0x1C0;
	[sflag:s23] =	ssyncadd.s32 $0xFFFFE400  }
0x2e: {  	[tilespmem:s17], [sflag:$0x1] =	stream.indirect.gather [hbm4b:s2+s16], $0x40, s1, s16, $0xb8;
	[tilespmem:$0x15E80] =	vst v63  }
0x2f: {  	_ =	swait.ge [sflag:s15], $0x1C00  }
0x30: {  	[sflag:s15] =	ssyncset.done $0x0  }
0x31: {  	s13 =	simm.s32 $0x28B0;
	[sflag:s15] =	ssyncadd.s32 $0xFFFFE400  }
0x32: {  	[spmem:s3] =	stream.indirect.scatter.add.f32 [tilespmem:s18], [sflag:$0x5], $0x40, s13, s16, $0xb8;
	[tilespmem:$0x15E80] =	vst v63  }
0x33: {  	_ =	swait.ge [sflag:s23], $0x1C00  }
0x34: {  	[sflag:s23] =	ssyncset.done $0x0  }
0x35: {  	s1 =	simm.s32 $0x230;
	[sflag:s23] =	ssyncadd.s32 $0xFFFFE400  }
0x36: {  	[tilespmem:s18], [sflag:$0x2] =	stream.indirect.gather [hbm4b:s2+s16], $0x40, s1, s16, $0xb8;
	[tilespmem:$0x15E80] =	vst v63  }
0x37: {  	_ =	swait.ge [sflag:s24], $0x1C00  }
0x38: {  	[sflag:s24] =	ssyncset.done $0x0  }
0x39: {  	s13 =	simm.s32 $0x2920;
	[sflag:s24] =	ssyncadd.s32 $0xFFFFE400  }
0x3a: {  	[spmem:s3] =	stream.indirect.scatter.add.f32 [tilespmem:s20], [sflag:$0x5], $0x40, s13, s16, $0xb8;
	[tilespmem:$0x15E80] =	vst v63  }
0x3b: {  	_ =	swait.ge [sflag:s23], $0x1C00  }
0x3c: {  	[sflag:s23] =	ssyncset.done $0x0  }
0x3d: {  	s1 =	simm.s32 $0x2A0;
	[sflag:s23] =	ssyncadd.s32 $0xFFFFE400  }
0x3e: {  	[tilespmem:s20], [sflag:$0x3] =	stream.indirect.gather [hbm4b:s2+s16], $0x40, s1, s16, $0xb8;
	[tilespmem:$0x15E80] =	vst v63  }
0x3f: {  	_ =	swait.ge [sflag:s25], $0x1C00  }
0x40: {  	[sflag:s25] =	ssyncset.done $0x0  }
0x41: {  	s13 =	simm.s32 $0x2990;
	[sflag:s25] =	ssyncadd.s32 $0xFFFFE400  }
0x42: {  	[spmem:s3] =	stream.indirect.scatter.add.f32 [tilespmem:s22], [sflag:$0x5], $0x40, s13, s16, $0xb8;
	[tilespmem:$0x15E80] =	vst v63  }
0x43: {  	_ =	swait.ge [sflag:s23], $0x1C00  }
0x44: {  	[sflag:s23] =	ssyncset.done $0x0  }
0x45: {  	s0 =	simm.s32 $0x700;
	s1 =	simm.s32 $0x310;
	[sflag:s23] =	ssyncadd.s32 $0xFFFFE400  }
.LBB2_2:
0x46: {  	[tilespmem:s22], [sflag:$0x4] =	stream.indirect.gather [hbm4b:s2+s16], $0x40, s1, s16, $0xb8;
	[tilespmem:$0x15E80] =	vst v63  }
0x47: {  	s1 =	smov.u32 s0  }
0x48: {  	p0 =	sne.s32 s0, $0x9300;
	s0 =	sadd.s32 $0x700, s0;
	_ =	swait.ge [sflag:s14], $0x1C00  }
0x49: {  	s1 =	sshra.s32 s1, $0x2;
	[sflag:s14] =	ssyncset.done $0x0  }
0x4a: {  	s13 =	sadd.s32 $0x2840, s1;
	[sflag:s14] =	ssyncadd.s32 $0xFFFFE400  }
0x4b: {  	[spmem:s3] =	stream.indirect.scatter.add.f32 [tilespmem:s17], [sflag:$0x5], $0x40, s13, s16, $0xb8;
	[tilespmem:$0x15E80] =	vst v63  }
0x4c: {  	_ =	swait.ge [sflag:s23], $0x1C00  }
0x4d: {  	[sflag:s23] =	ssyncset.done $0x0  }
0x4e: {  	s13 =	sadd.s32 $0x1C0, s1;
	[sflag:s23] =	ssyncadd.s32 $0xFFFFE400  }
0x4f: {  	[tilespmem:s17], [sflag:$0x1] =	stream.indirect.gather [hbm4b:s2+s16], $0x40, s13, s16, $0xb8;
	[tilespmem:$0x15E80] =	vst v63  }
0x50: {  	_ =	swait.ge [sflag:s15], $0x1C00  }
0x51: {  	[sflag:s15] =	ssyncset.done $0x0  }
0x52: {  	s13 =	sadd.s32 $0x28B0, s1;
	[sflag:s15] =	ssyncadd.s32 $0xFFFFE400  }
0x53: {  	[spmem:s3] =	stream.indirect.scatter.add.f32 [tilespmem:s18], [sflag:$0x5], $0x40, s13, s16, $0xb8;
	[tilespmem:$0x15E80] =	vst v63  }
0x54: {  	_ =	swait.ge [sflag:s23], $0x1C00  }
0x55: {  	[sflag:s23] =	ssyncset.done $0x0  }
0x56: {  	s13 =	sadd.s32 $0x230, s1;
	[sflag:s23] =	ssyncadd.s32 $0xFFFFE400  }
0x57: {  	[tilespmem:s18], [sflag:$0x2] =	stream.indirect.gather [hbm4b:s2+s16], $0x40, s13, s16, $0xb8;
	[tilespmem:$0x15E80] =	vst v63  }
0x58: {  	_ =	swait.ge [sflag:s24], $0x1C00  }
0x59: {  	[sflag:s24] =	ssyncset.done $0x0  }
0x5a: {  	s13 =	sadd.s32 $0x2920, s1;
	[sflag:s24] =	ssyncadd.s32 $0xFFFFE400  }
0x5b: {  	[spmem:s3] =	stream.indirect.scatter.add.f32 [tilespmem:s20], [sflag:$0x5], $0x40, s13, s16, $0xb8;
	[tilespmem:$0x15E80] =	vst v63  }
0x5c: {  	_ =	swait.ge [sflag:s23], $0x1C00  }
0x5d: {  	[sflag:s23] =	ssyncset.done $0x0  }
0x5e: {  	s13 =	sadd.s32 $0x2A0, s1;
	[sflag:s23] =	ssyncadd.s32 $0xFFFFE400  }
0x5f: {  	[tilespmem:s20], [sflag:$0x3] =	stream.indirect.gather [hbm4b:s2+s16], $0x40, s13, s16, $0xb8;
	[tilespmem:$0x15E80] =	vst v63  }
0x60: {  	_ =	swait.ge [sflag:s25], $0x1C00  }
0x61: {  	[sflag:s25] =	ssyncset.done $0x0  }
.Ltmp0:
0x62: {  	s13 =	sadd.s32 $0x2990, s1;
	[sflag:s25] =	ssyncadd.s32 $0xFFFFE400;
	(pc) =	sbr.rel @p0 .LBB2_2-.Ltmp0, $4  }
0x63: {  	[spmem:s3] =	stream.indirect.scatter.add.f32 [tilespmem:s22], [sflag:$0x5], $0x40, s13, s16, $0xb8;
	[tilespmem:$0x15E80] =	vst v63  }
0x64: {  	_ =	swait.ge [sflag:s23], $0x1C00  }
0x65: {  	[sflag:s23] =	ssyncset.done $0x0  }
0x66: {  	s1 =	sadd.s32 $0x310, s1;
	[sflag:s23] =	ssyncadd.s32 $0xFFFFE400  }
0x67: {  	[tilespmem:s22], [sflag:$0x4] =	stream.indirect.gather [hbm4b:s2+s16], $0x40, s1, s16, $0xb8;
	[tilespmem:$0x15E80] =	vst v63  }
0x68: {  	_ =	swait.ge [sflag:s14], $0x1C00  }
0x69: {  	[sflag:s14] =	ssyncset.done $0x0  }
0x6a: {  	[sflag:s14] =	ssyncadd.s32 $0xFFFFE400  }
0x6b: {  	[spmem:s3] =	stream.indirect.scatter.add.f32 [tilespmem:s17], [sflag:$0x5], $0x40, s26, s16, $0xb8;
	[tilespmem:$0x15E80] =	vst v63  }
0x6c: {  	_ =	swait.ge [sflag:s23], $0x1C00  }
0x6d: {  	[sflag:s23] =	ssyncset.done $0x0  }
0x6e: {  	[sflag:s23] =	ssyncadd.s32 $0xFFFFE400  }
0x6f: {  	_ =	swait.ge [sflag:s15], $0x1C00  }
0x70: {  	[sflag:s15] =	ssyncset.done $0x0  }
0x71: {  	[sflag:s15] =	ssyncadd.s32 $0xFFFFE400  }
0x72: {  	[spmem:s3] =	stream.indirect.scatter.add.f32 [tilespmem:s18], [sflag:$0x5], $0x40, s28, s16, $0xb8;
	[tilespmem:$0x15E80] =	vst v63  }
0x73: {  	_ =	swait.ge [sflag:s23], $0x1C00  }
0x74: {  	[sflag:s23] =	ssyncset.done $0x0  }
0x75: {  	[sflag:s23] =	ssyncadd.s32 $0xFFFFE400  }
0x76: {  	_ =	swait.ge [sflag:s24], $0x1C00  }
0x77: {  	[sflag:s24] =	ssyncset.done $0x0  }
0x78: {  	[sflag:s24] =	ssyncadd.s32 $0xFFFFE400  }
0x79: {  	[spmem:s3] =	stream.indirect.scatter.add.f32 [tilespmem:s20], [sflag:$0x5], $0x40, s29, s16, $0xb8;
	[tilespmem:$0x15E80] =	vst v63  }
0x7a: {  	_ =	swait.ge [sflag:s23], $0x1C00  }
0x7b: {  	[sflag:s23] =	ssyncset.done $0x0  }
0x7c: {  	[sflag:s23] =	ssyncadd.s32 $0xFFFFE400  }
0x7d: {  	_ =	swait.ge [sflag:s25], $0x1C00  }
0x7e: {  	[sflag:s25] =	ssyncset.done $0x0  }
0x7f: {  	[sflag:s25] =	ssyncadd.s32 $0xFFFFE400  }
0x80: {  	[spmem:s3] =	stream.indirect.scatter.add.f32 [tilespmem:s22], [sflag:$0x5], $0x40, s30, s16, $0xb8;
	[tilespmem:$0x15E80] =	vst v63  }
0x81: {  	_ =	swait.ge [sflag:s23], $0x1C00  }
0x82: {  	s31 =	sadd.s32 $0x1, s31;
	[sflag:s23] =	ssyncset.done $0x0  }
0x83: {  	p0 =	sne.s32 s31, s11;
	[sflag:s23] =	ssyncadd.s32 $0xFFFFE400  }
.Ltmp1:
0x84: {  	s0 =	sor.u32 $0x1C05, s6;
	[bflag:$0x0] =	sbarrier.arrive $0xFFFF;
	(pc) =	sbr.rel @p0 .LBB2_1-.Ltmp1, $4  }
0x85: {  	[hbm:s10], [sflag:s0] =	dma.local [spmem:s12], $0x13C0  }
0x86: {  	_ =	swait.ge [sflag:s23], $0x13C0  }
0x87: {  	[sflag:s23] =	ssyncset.done $0x0  }
0x88: {  	[sflag:s23] =	ssyncadd.s32 $0xFFFFEC40  }
0x89: {  	_ =	sfence.sel $0x180000  }
0x8a: {  	[bflag:$0x0] =	sbarrier.arrive $0xFFFF  }
0x8b: {  	_ =	strace $0x9000004D  }
0x8c: {  	s0 =	stileid.u32;
	[bflag:$0x2] =	sbarrier.arrive $0xFFFF  }
0x8d: {  	p0 =	sne.s32 s0, $0x0;
	s0 =	rddreg [dreg:$0x3]  }
0x8e: {  	s0 =	sadd.s32 @!p0 $0x100000, s0  }
0x8f: {  	[sflag:s0] =	ssyncadd.tile.s32 @!p0 $0x1;
	_ =	shalt  }
.Lfunc_end2:
_tile_overlayer_lowered:
.L_overlay_start_2:
0x90: {  	(tag) =	ssettag $0x2  }
0x91: {  	s0 =	rddreg [dreg:$0x0];
	s2 =	stileid.u32  }
0x92: {  	s1 =	rddreg [dreg:$0x1];
	p0 =	sne.s32 s2, $0x0  }
0x93: {  	s3 =	rddreg [dreg:$0x2];
	[bflag:$0x3] =	sbarrier.arrive $0xFFFF;
	s2 =	simm.s32 @!p0 $0x1C05  }
0x94: {  	[timem:s3], [sflag:s2] =	dma.local @!p0 [hbm:s0], s1  }
0x95: {  	s0 =	simm.s32 @!p0 $0x5  }
0x96: {  	_ =	swait.ge @!p0 [sflag:s0], s1  }
0x97: {  	s1 =	ssub.s32 @!p0 $0x0, s1;
	[sflag:s0] =	ssyncset.done @!p0 $0x0  }
0x98: {  	[sflag:s0] =	ssyncadd.s32 @!p0 s1  }
0x99: {  	[bflag:$0x3] =	sbarrier.arrive $0xFFFF  }
0x9a: {  	_ =	shalt  }

// kernel: kernel.8.cloned.1.call-start
scs
__scs_entry_jumppad:
0x0: {  	(pc) =	sbr.rel $0x88, $3  }
0x1: {  	(tag) =	ssettag $0x0;
	lr =	simm.s32 $0x1  }
0x2: {  	[smem:$0x3F9B] =	sst lr;
	_ =	strace $0xD0000000  }
0x3: {  	_ = 	snop  }
0x4: {  	_ = 	snop  }
0x5: {  	_ = 	snop  }
0x6: {  	_ = 	snop  }
0x7: {  	_ = 	snop  }
__scs_overlays_trampoline_lowered:
0x8: {  	[smem:$0x3FAA] =	sst s0  }
0x9: {  	[smem:$0x3FAB] =	sst s1  }
0xa: {  	[smem:$0x3FAC] =	sst s2  }
0xb: {  	[smem:$0x3FAD] =	sst s3  }
0xc: {  	[smem:$0x3FAE] =	sst s4  }
0xd: {  	[smem:$0x3FAF] =	sst s5  }
0xe: {  	[smem:$0x3FB0] =	sst s6  }
0xf: {  	[smem:$0x3FB1] =	sst s7  }
0x10: {  	[smem:$0x3FB2] =	sst s8  }
0x11: {  	[smem:$0x3FB3] =	sst s9;
	s0 =	simm.s32 @!p0 $0x0  }
0x12: {  	s1 =	sld [smem:$0x3F99];
	s0 =	simm.s32 @p0 $0x1  }
0x13: {  	[smem:$0x3FB4] =	sst s0;
	s0 =	simm.s32 @!p1 $0x0  }
0x14: {  	s2 =	sld [smem:$0x3F98];
	s0 =	simm.s32 @p1 $0x1  }
0x15: {  	[smem:$0x3FB5] =	sst s0;
	s0 =	simm.s32 @!p2 $0x0  }
0x16: {  	s3 =	sld [smem:$0x3FDB];
	s0 =	simm.s32 @p2 $0x1  }
0x17: {  	s4 =	simm.s32 $0x1BF5;
	[smem:$0x3FB7] =	sst s0  }
0x18: {  	s0 =	sld [smem:$0x3F9A];
	_ =	swait.ge [sflag:s4], $0x0  }
0x19: {  	s7 =	sld [smem:$0x3F9B]  }
0x1a: {  	s8 =	sadd.s32 $0xFFFFE003, lr  }
0x1b: {  	s9 =	sadd.s32 $0xFFFFFEF7, lr;
	s5 =	simm.s32 $0xFFFFFFFF;
	p2 =	slt.u32 s8, $0xFFFFF086  }
0x1c: {  	p1 =	slt.u32 s9, $0xF7A;
	s5 =	simm.s32 @!p2 $0x0  }
0x1d: {  	s5 =	simm.s32 @p1 $0x1;
	p0 =	seq.s32 s7, s2  }
0x1e: {  	s7 =	smul.u32 @!p0 $0xF7A, s2;
	p2 =	seq.s32 @!p0 s5, $0x0  }
0x1f: {  	s9 =	smul.u32 $0xF7A, s1;
	s8 =	simm.s32 @!p0 $0x1BF5;
	p2 =	por !p2, p0  }
0x20: {  	[sflag:s8] =	ssyncset.s32 @!p0 $0xFFFFF086;
	s6 =	sadd.s32 @!p0 s3, s7;
	s7 =	simm.s32 @!p0 $0x108  }
0x21: {  	s3 =	sadd.s32 s3, s9;
	s6 =	sadd.s32 @!p0 $0x88, s6;
	s7 =	simm.s32 @p2 $0x1082  }
0x22: {  	[simem:s7], [sflag:s8] =	dma.local @!p0 [hbm:s6], $0xF7A  }
0x23: {  	s9 =	sor.u32 $0xD0000000, s2;
	s6 =	simm.s32 $0x108;
	_ =	swait.ge @!p0 [sflag:s8], $0x0  }
0x24: {  	s3 =	sadd.s32 $0x88, s3;
	s6 =	simm.s32 @!p1 $0x1082;
	[sflag:s4] =	ssyncset.s32 $0xFFFFF086  }
0x25: {  	[simem:s6], [sflag:s4] =	dma.local [hbm:s3], $0xF7A  }
0x26: {  	[smem:$0x3F9B] =	sst s1;
	(tag) =	ssettag s2;
	_ =	strace s9  }
0x27: {  	s1 =	sld [smem:$0x3FAB]  }
0x28: {  	s2 =	sld [smem:$0x3FAC]  }
0x29: {  	s4 =	sld [smem:$0x3FAE]  }
0x2a: {  	p0 =	seq.s32 s5, $0x0;
	s5 =	sld [smem:$0x3FAF]  }
0x2b: {  	s6 =	sld [smem:$0x3FB0]  }
0x2c: {  	s7 =	sld [smem:$0x3FB1]  }
0x2d: {  	s3 =	simm.s32 $0x108;
	s8 =	sld [smem:$0x3FB2]  }
0x2e: {  	s3 =	simm.s32 @!p0 $0x1082;
	s9 =	sld [smem:$0x3FB3]  }
0x2f: {  	lr =	sadd.s32 s0, s3;
	s0 =	sld [smem:$0x3FAA]  }
0x30: {  	s3 =	sld [smem:$0x3FAD]  }
0x31: {  	[smem:$0x3FB6] =	sst s10  }
0x32: {  	s10 =	sld [smem:$0x3FB4];
	_ =	sdelay $0x3  }
0x33: {  	p0 =	seq.s32 s10, $0x1;
	s10 =	sld [smem:$0x3FB6];
	_ =	sdelay $0x3  }
0x34: {  	[smem:$0x3FB6] =	sst s10  }
0x35: {  	s10 =	sld [smem:$0x3FB5];
	_ =	sdelay $0x3  }
0x36: {  	p1 =	seq.s32 s10, $0x1;
	s10 =	sld [smem:$0x3FB6];
	_ =	sdelay $0x3  }
0x37: {  	[smem:$0x3FB6] =	sst s10  }
0x38: {  	s10 =	sld [smem:$0x3FB7]  }
0x39: {  	_ = 	snop;
	(pc) =	sbr.ind lr, $3  }
0x3a: {  	_ = 	snop  }
0x3b: {  	_ = 	snop  }
0x3c: {  	p2 =	seq.s32 s10, $0x1;
	s10 =	sld [smem:$0x3FB6]  }
0x3d: {  	_ =	shalt  }
0x3e: {  	_ =	shalt  }
0x3f: {  	_ =	shalt  }
0x40: {  	_ =	shalt  }
0x41: {  	_ =	shalt  }
0x42: {  	_ =	shalt  }
0x43: {  	_ =	shalt  }
0x44: {  	_ =	shalt  }
0x45: {  	_ =	shalt  }
0x46: {  	_ =	shalt  }
0x47: {  	_ =	shalt  }
0x48: {  	_ =	shalt  }
0x49: {  	_ =	shalt  }
0x4a: {  	_ =	shalt  }
0x4b: {  	_ =	shalt  }
0x4c: {  	_ =	shalt  }
0x4d: {  	_ =	shalt  }
0x4e: {  	_ =	shalt  }
0x4f: {  	_ =	shalt  }
0x50: {  	_ =	shalt  }
0x51: {  	_ =	shalt  }
0x52: {  	_ =	shalt  }
0x53: {  	_ =	shalt  }
0x54: {  	_ =	shalt  }
0x55: {  	_ =	shalt  }
0x56: {  	_ =	shalt  }
0x57: {  	_ =	shalt  }
0x58: {  	_ =	shalt  }
0x59: {  	_ =	shalt  }
0x5a: {  	_ =	shalt  }
0x5b: {  	_ =	shalt  }
0x5c: {  	_ =	shalt  }
0x5d: {  	_ =	shalt  }
0x5e: {  	_ =	shalt  }
0x5f: {  	_ =	shalt  }
0x60: {  	_ =	shalt  }
0x61: {  	_ =	shalt  }
0x62: {  	_ =	shalt  }
0x63: {  	_ =	shalt  }
0x64: {  	_ =	shalt  }
0x65: {  	_ =	shalt  }
0x66: {  	_ =	shalt  }
0x67: {  	_ =	shalt  }
0x68: {  	_ =	shalt  }
0x69: {  	_ =	shalt  }
0x6a: {  	_ =	shalt  }
0x6b: {  	_ =	shalt  }
0x6c: {  	_ =	shalt  }
0x6d: {  	_ =	shalt  }
0x6e: {  	_ =	shalt  }
0x6f: {  	_ =	shalt  }
0x70: {  	_ =	shalt  }
0x71: {  	_ =	shalt  }
0x72: {  	_ =	shalt  }
0x73: {  	_ =	shalt  }
0x74: {  	_ =	shalt  }
0x75: {  	_ =	shalt  }
0x76: {  	_ =	shalt  }
0x77: {  	_ =	shalt  }
0x78: {  	_ =	shalt  }
0x79: {  	_ =	shalt  }
0x7a: {  	_ =	shalt  }
0x7b: {  	_ =	shalt  }
0x7c: {  	_ =	shalt  }
0x7d: {  	_ =	shalt  }
0x7e: {  	_ =	shalt  }
0x7f: {  	_ =	shalt  }
0x80: {  	_ =	shalt  }
0x81: {  	_ =	shalt  }
0x82: {  	_ =	shalt  }
0x83: {  	_ =	shalt  }
0x84: {  	_ =	shalt  }
0x85: {  	_ =	shalt  }
0x86: {  	_ =	shalt  }
0x87: {  	_ =	shalt  }
.Lfunc_end0:
.L_simem_size_0:
called_computation_lowered:
.L_overlay_start_0:
0x88: {  	s2 =	sld [smem:$0x3FD9]  }
0x89: {  	s3 =	sld [smem:$0x3FFE];
	_ =	sdelay $0x1  }
0x8a: {  	s1 =	srdreg.scid  }
0x8b: {  	s0 =	sand.u32 $0x1, s1  }
0x8c: {  	s17 =	sshll.u32 s0, $0xA;
	s2 =	sadd.s32 s3, s2  }
0x8d: {  	s2 =	sadd.s32 s2, s17  }
0x8e: {  	[smem:$0x3FC2] =	sst s2  }
0x8f: {  	_ = 	snop  }
0x90: {  	s2 =	sld [smem:$0x3FD0];
	(tm) =	ssettm $0x1  }
0x91: {  	s18 =	sld [smem:$0x3FFB];
	_ =	sdelay $0x3  }
0x92: {  	_ =	strace s18  }
0x93: {  	s3 =	sld [smem:$0x3FFC];
	_ =	sdelay $0x3  }
0x94: {  	_ =	strace s3  }
0x95: {  	s3 =	sld [smem:$0x3FFD];
	_ =	sdelay $0x3  }
0x96: {  	_ =	strace s3  }
0x97: {  	_ =	strace $0x8FFFFFFF  }
0x98: {  	s19 =	sld [smem:$0x3FDB];
	_ =	sdelay $0x1  }
0x99: {  	s4 =	simm.s32 $_scs_section_size  }
0x9a: {  	s5 =	simm.s32 $_size__tile_overlayer_lowered;
	s6 =	simm.s32 $_tile_overlayer_lowered  }
0x9b: {  	s22 =	simm.s32 $0x1BFF;
	s21 =	sshll.u32 s6, $0x1;
	s3 =	sadd.s32 s4, s19  }
0x9c: {  	s7 =	simm.s32 $0x0;
	s20 =	sshll.u32 s5, $0x1;
	s5 =	sadd.s32 s21, s3  }
0x9d: {  	[timem:s7], [sflag:s22] =	dma.local [hbm:s5], s20  }
0x9e: {  	_ =	swait.ge [sflag:s22], s20  }
0x9f: {  	s4 =	ssub.s32 $0x0, s20;
	[sflag:s22] =	ssyncset.done $0x0  }
0xa0: {  	[sflag:s22] =	ssyncadd.s32 s4;
	_ =	sdelay $0x1  }
0xa1: {  	s23 =	simm.s32 $0x1B8B  }
0xa2: {  	_ =	swait.ge [sflag:s23], $0x1  }
0xa3: {  	[sflag:s23] =	ssyncset.done $0x0  }
0xa4: {  	s25 =	simm.s32 $0x1B8E;
	s24 =	sld [smem:$0x3FFE];
	[sflag:s23] =	ssyncadd.s32 $0xFFFFFFFF  }
0xa5: {  	s26 =	simm.s32 $execute0_lowered;
	[smem:$0x3FD2] =	sst s25  }
0xa6: {  	s5 =	sshll.u32 s26, $0x1;
	_ =	strace $0x80000046;
	[dreg:$0x1] =	wrdreg $0xFFFFFFFF  }
0xa7: {  	s28 =	simm.s32 $_size_execute0_lowered;
	s3 =	sadd.s32 s3, s5;
	[dreg:$0x0] =	wrdreg $0x0  }
0xa8: {  	s5 =	sshll.u32 s28, $0x1;
	[dreg:$0x2] =	wrdreg s3  }
0xa9: {  	[dreg:$0x3] =	wrdreg s5  }
0xaa: {  	[dreg:$0x4] =	wrdreg $0xC0  }
0xab: {  	_ =	task [dreg:s7], $0x5FFFF  }
0xac: {  	[dreg:$0x1] =	wrdreg $0xFFFFFFFF  }
0xad: {  	[dreg:$0x0] =	wrdreg $0x60  }
0xae: {  	[dreg:$0x2] =	wrdreg s2  }
0xaf: {  	[dreg:$0x3] =	wrdreg s24  }
0xb0: {  	[dreg:$0x4] =	wrdreg $0x57800  }
0xb1: {  	[dreg:$0x5] =	wrdreg $0x7F000  }
0xb2: {  	[dreg:$0x6] =	wrdreg $0x9  }
0xb3: {  	_ =	task.clear_ibuf [dreg:s7], $0x7FFFF;
	_ =	strace $0x90000046  }
0xb4: {  	s29 =	simm.s32 $0x9;
	_ =	strace $0x80000048  }
0xb5: {  	_ =	swait.ge [sflag:s29], $0x1  }
0xb6: {  	[sflag:s29] =	ssyncadd.s32 $0xFFFFFFFF  }
0xb7: {  	_ =	strace $0x90000048  }
0xb8: {  	_ =	sfence  }
0xb9: {  	s30 =	sld [smem:$0x0];
	_ =	sdelay $0x2  }
0xba: {  	s31 =	sshll.u32 s1, $0xD;
	s1 =	sshrl.u32 s1, $0x2  }
0xbb: {  	s3 =	sand.u32 $0x4000, s31;
	s1 =	sadd.s32 s1, s30  }
0xbc: {  	s0 =	sor.u32 s3, s0;
	s1 =	sshll.u32 s1, $0x11  }
0xbd: {  	s0 =	sor.u32 s1, s0  }
0xbe: {  	s0 =	sadd.s32 $0x8F2B, s0  }
0xbf: {  	[sflag:s0] =	ssyncadd.remote.s32 $0x1  }
0xc0: {  	_ =	sfence.sel $0xFFFF  }
0xc1: {  	[dreg:$0x0] =	wrdreg $0xFFFFFFFF;
	(pc) =	sbr.abs _section_cstart, $3  }
0xc2: {  	[dreg:$0x1] =	wrdreg $0xFFFFFFFF  }
0xc3: {  	_ =	task.clear_ibuf [dreg:s7], $0x2FFFF;
	_ =	strace $0x9FFFFFFF  }
0xc4: {  	(tm) =	ssettm $0x7FFFFFFF  }
0xc5: {  	_ =	shalt  }
tec
execute0_lowered:
.L_overlay_start_1:
0x0: {  	(tag) =	ssettag $0x1  }
0x1: {  	s8 =	rddreg [dreg:$0x0]  }
0x2: {  	s6 =	rddreg [dreg:$0x1]  }
0x3: {  	s0 =	srdreg.scid;
	s2 =	rddreg [dreg:$0x2]  }
0x4: {  	s3 =	rddreg [dreg:$0x3];
	s4 =	simm.s32 $0x0;
	s16 =	simm.s32 $0x2840  }
0x5: {  	s17 =	simm.s32 $0x1;
	s18 =	simm.s32 $0x2;
	s19 =	simm.s32 $0x70  }
0x6: {  	s20 =	simm.s32 $0x5080;
	s5 =	sand.u32 $0x1, s0;
	s0 =	stileid.u32  }
0x7: {  	s21 =	simm.s32 $0x3;
	s22 =	simm.s32 $0x0;
	s10 =	smul.u32 $0x2780, s0  }
0x8: {  	[smem:$0x7FF] =	sst s4;
	s1 =	sshll.u32 s5, $0x4;
	s7 =	smul.u32 $0x27800, s5  }
0x9: {  	s12 =	ssub.s32 $0x2, s5;
	s5 =	sadd.s32 $0x16600, s6;
	s1 =	sor.u32 s0, s1  }
0xa: {  	s13 =	sshrl.u32 s12, $0x1;
	s9 =	smul.u32 $0x508, s1;
	s1 =	rddreg [dreg:$0x4]  }
0xb: {  	_ =	strace $0x80000047;
	s7 =	sadd.s32 s10, s7;
	s12 =	ssub.s32 s12, s13  }
0xc: {  	s31 =	sadd.s32 s10, s2;
	s15 =	sadd.s32 s10, s3;
	s7 =	sshrl.u32 s7, $0x3  }
0xd: {  	s12 =	smax.u32 s12, $0x1;
	s13 =	sshrl.u32 s31, $0x3;
	s15 =	sshrl.u32 s15, $0x3  }
0xe: {  	s11 =	sadd.s32 s9, s6;
	s14 =	sadd.s32 s7, s6;
	s6 =	sshll.u32 s0, $0x6  }
0xf: {  	s8 =	sadd.s32 s8, s9;
	s7 =	sor.u32 $0x1C01, s6;
	s9 =	sadd.s32 $0xC400, s11  }
0x10: {  	v0 =	vimm.f32 $1.000000000e+00;
	s10 =	sadd.s32 $0x16C00, s14;
	s11 =	sadd.s32 $0x20A00, s14;
	s14 =	sor.u32 $0x1C02, s6  }
.LBB2_1:
0x11: {  	s23 =	simm.s32 $0x40;
	s24 =	simm.s32 $0x0  }
.LBB2_2:
0x12: {  	p0 =	sne.s32 s23, $0x1BC0;
	[tilespmem:s24+$0x5080] =	vst v0;
	s24 =	smov.u32 s23;
	s23 =	sadd.s32 $0x40, s23  }
.Ltmp0:
0x13: {  	(pc) =	sbr.rel @p0 .LBB2_2-.Ltmp0, $2  }
0x14: {  	_ =	sdelay $0x2  }
0x15: {  	s24 =	sshra.s32 s24, $0x2  }
0x16: {  	[tilespmem:s24+$0x5080] =	vst v0  }
0x17: {  	[spmem:s13], [sflag:s7] =	dma.local [hbm:s5], $0x4F0  }
0x18: {  	[spmem:s15], [sflag:s14] =	dma.local [hbm:s5], $0x4F0  }
0x19: {  	[tilespmem:s4], [sflag:$0x1] =	stream.linear.gather [hbm4b:s8+s4], $0x2840, $0x38;
	[tilespmem:$0xA680] =	vst v63  }
0x1a: {  	_ = 	snop  }
0x1b: {  	[tilespmem:s16], [sflag:$0x2] =	stream.linear.gather [hbm4b:s9+s4], $0x2840, $0x38;
	[tilespmem:$0xA680] =	vst v63  }
0x1c: {  	_ =	swait.ge [sflag:s17], $0x4F0  }
0x1d: {  	[sflag:s17] =	ssyncset.done $0x0  }
0x1e: {  	[sflag:s17] =	ssyncadd.s32 $0xFFFFFB10  }
0x1f: {  	_ =	swait.ge [sflag:s18], $0x4F0  }
0x20: {  	[sflag:s18] =	ssyncset.done $0x0  }
0x21: {  	[sflag:s18] =	ssyncadd.s32 $0xFFFFFB10  }
0x22: {  	_ =	swait.ge [sflag:s17], $0x2840  }
0x23: {  	[sflag:s17] =	ssyncset.done $0x0  }
0x24: {  	[sflag:s17] =	ssyncadd.s32 $0xFFFFD7C0  }
0x25: {  	_ =	swait.ge [sflag:s18], $0x2840  }
0x26: {  	[sflag:s18] =	ssyncset.done $0x0  }
0x27: {  	[sflag:s18] =	ssyncadd.s32 $0xFFFFD7C0  }
0x28: {  	[bflag:$0x0] =	sbarrier.arrive $0xFFFF  }
0x29: {  	[spmem:s2] =	stream.indirect.scatter.add.f32 [tilespmem:s20], [sflag:$0x1], $0x10, s4, s19, $0xb8;
	[tilespmem:$0xA680] =	vst v63  }
0x2a: {  	_ = 	snop  }
0x2b: {  	[spmem:s3] =	stream.indirect.scatter.add.f32 [tilespmem:s20], [sflag:$0x2], $0x10, s16, s19, $0xb8;
	[tilespmem:$0xA680] =	vst v63  }
0x2c: {  	s23 =	simm.s32 $0x70  }
0x2d: {  	[spmem:s2] =	stream.indirect.scatter.add.f32 [tilespmem:s20], [sflag:$0x1], $0x10, s23, s19, $0xb8;
	[tilespmem:$0xA680] =	vst v63  }
0x2e: {  	s31 =	simm.s32 $0x28B0  }
0x2f: {  	[spmem:s3] =	stream.indirect.scatter.add.f32 [tilespmem:s20], [sflag:$0x2], $0x10, s31, s19, $0xb8;
	[tilespmem:$0xA680] =	vst v63  }
0x30: {  	_ =	swait.ge [sflag:s17], $0x700  }
0x31: {  	[sflag:s17] =	ssyncset.done $0x0  }
0x32: {  	[sflag:s17] =	ssyncadd.s32 $0xFFFFF900  }
0x33: {  	_ =	swait.ge [sflag:s18], $0x700  }
0x34: {  	s24 =	simm.s32 $0x540;
	s23 =	simm.s32 $0x380;
	[sflag:s18] =	ssyncset.done $0x0  }
.LBB2_4:
0x35: {  	s25 =	sshra.s32 s23, $0x2  }
0x36: {  	[sflag:s18] =	ssyncadd.s32 $0xFFFFF900;
	s23 =	smov.u32 s24;
	s26 =	sadd.s32 $0x1C0, s24  }
0x37: {  	[spmem:s2] =	stream.indirect.scatter.add.f32 [tilespmem:s20], [sflag:$0x1], $0x10, s25, s19, $0xb8;
	[tilespmem:$0xA680] =	vst v63  }
0x38: {  	p0 =	sne.s32 s24, $0x9F40;
	s24 =	sadd.s32 $0x2840, s25  }
0x39: {  	[spmem:s3] =	stream.indirect.scatter.add.f32 [tilespmem:s20], [sflag:$0x2], $0x10, s24, s19, $0xb8;
	[tilespmem:$0xA680] =	vst v63  }
.Ltmp1:
0x3a: {  	_ =	swait.ge [sflag:s17], $0x700;
	(pc) =	sbr.rel @p0 .LBB2_4-.Ltmp1, $4  }
0x3b: {  	[sflag:s17] =	ssyncset.done $0x0  }
0x3c: {  	[sflag:s17] =	ssyncadd.s32 $0xFFFFF900  }
0x3d: {  	_ =	swait.ge [sflag:s18], $0x700  }
0x3e: {  	s24 =	smov.u32 s26;
	[sflag:s18] =	ssyncset.done $0x0  }
0x3f: {  	s23 =	sshra.s32 s23, $0x2;
	[sflag:s18] =	ssyncadd.s32 $0xFFFFF900  }
0x40: {  	[spmem:s2] =	stream.indirect.scatter.add.f32 [tilespmem:s20], [sflag:$0x1], $0x10, s23, s19, $0xb8;
	[tilespmem:$0xA680] =	vst v63  }
0x41: {  	s23 =	sadd.s32 $0x2840, s23  }
0x42: {  	[spmem:s3] =	stream.indirect.scatter.add.f32 [tilespmem:s20], [sflag:$0x2], $0x10, s23, s19, $0xb8;
	[tilespmem:$0xA680] =	vst v63  }
0x43: {  	_ =	swait.ge [sflag:s17], $0x700  }
0x44: {  	[sflag:s17] =	ssyncset.done $0x0  }
0x45: {  	[sflag:s17] =	ssyncadd.s32 $0xFFFFF900  }
0x46: {  	_ =	swait.ge [sflag:s18], $0x700  }
0x47: {  	[sflag:s18] =	ssyncset.done $0x0  }
0x48: {  	[sflag:s18] =	ssyncadd.s32 $0xFFFFF900  }
0x49: {  	_ =	swait.ge [sflag:s17], $0x700  }
0x4a: {  	[sflag:s17] =	ssyncset.done $0x0  }
0x4b: {  	[sflag:s17] =	ssyncadd.s32 $0xFFFFF900  }
0x4c: {  	_ =	swait.ge [sflag:s18], $0x700  }
0x4d: {  	[sflag:s18] =	ssyncset.done $0x0  }
0x4e: {  	[sflag:s18] =	ssyncadd.s32 $0xFFFFF900  }
0x4f: {  	s31 =	sor.u32 $0x1C03, s6;
	[bflag:$0x0] =	sbarrier.arrive $0xFFFF  }
0x50: {  	[hbm:s10], [sflag:s31] =	dma.local [spmem:s13], $0x4F0  }
0x51: {  	s22 =	sadd.s32 $0x1, s22;
	_ =	swait.ge [sflag:s21], $0x4F0  }
0x52: {  	p0 =	sne.s32 s22, s12;
	[sflag:s21] =	ssyncset.done $0x0  }
.Ltmp2:
0x53: {  	[sflag:s21] =	ssyncadd.s32 $0xFFFFFB10;
	(pc) =	sbr.rel @p0 .LBB2_1-.Ltmp2, $4  }
0x54: {  	[hbm:s11], [sflag:s31] =	dma.local [spmem:s15], $0x4F0  }
0x55: {  	_ =	swait.ge [sflag:s21], $0x4F0  }
0x56: {  	[sflag:s21] =	ssyncset.done $0x0  }
0x57: {  	[sflag:s21] =	ssyncadd.s32 $0xFFFFFB10  }
0x58: {  	_ =	sfence.sel $0x180000  }
0x59: {  	[bflag:$0x0] =	sbarrier.arrive $0xFFFF  }
0x5a: {  	p0 =	sne.s32 s0, $0x0;
	_ =	strace $0x90000047  }
0x5b: {  	s0 =	sadd.s32 @!p0 $0x100000, s1;
	[bflag:$0x2] =	sbarrier.arrive $0xFFFF  }
0x5c: {  	[sflag:s0] =	ssyncadd.tile.s32 @!p0 $0x1;
	_ =	shalt  }
.Lfunc_end2:
_tile_overlayer_lowered:
.L_overlay_start_2:
0x5d: {  	(tag) =	ssettag $0x2  }
0x5e: {  	s0 =	rddreg [dreg:$0x0];
	s2 =	stileid.u32  }
0x5f: {  	s1 =	rddreg [dreg:$0x1];
	p0 =	sne.s32 s2, $0x0  }
0x60: {  	s3 =	rddreg [dreg:$0x2];
	[bflag:$0x3] =	sbarrier.arrive $0xFFFF;
	s2 =	simm.s32 @!p0 $0x1C03  }
0x61: {  	[timem:s3], [sflag:s2] =	dma.local @!p0 [hbm:s0], s1  }
0x62: {  	s0 =	simm.s32 @!p0 $0x3  }
0x63: {  	_ =	swait.ge @!p0 [sflag:s0], s1  }
0x64: {  	s1 =	ssub.s32 @!p0 $0x0, s1;
	[sflag:s0] =	ssyncset.done @!p0 $0x0  }
0x65: {  	[sflag:s0] =	ssyncadd.s32 @!p0 s1  }
0x66: {  	[bflag:$0x3] =	sbarrier.arrive $0xFFFF  }
0x67: {  	_ =	shalt  }

</sc_bundles>
